<compile_context>
chip_gen: v7x
topology: tpu7x:2x2x1
jax: 0.10.2.dev20260603
libtpu: 0.0.44.dev20260713+nightly
codegen_flags: <defaults>
</compile_context>

<pallas_src>
import functools

import jax
import jax.numpy as jnp
from jax.experimental import pallas as pl
from jax.experimental.pallas import tpu as pltpu
from jax.experimental.pallas import tpu_sc as plsc

def _search_kernel(pt_ref, g_ref, pth_ref, gh2x_ref,
                   idx_pg_ref, idx_gp_ref, colmin_ref, colidx_ref,
                   *, n_row_tiles, tm, n, m):
    b = pl.program_id(0)
    i = pl.program_id(1)

    p = pt_ref[0]
    g = g_ref[0]
    px = p[:, 0:1]
    py = p[:, 1:2]
    pz = p[:, 2:3]
    gx = g[0:1, :]
    gy = g[1:2, :]
    gz = g[2:3, :]

    p2 = px * px + py * py + pz * pz
    g2 = gx * gx + gy * gy + gz * gz
    s = p2 + g2

    cross2_sel = jnp.dot(pth_ref[0], gh2x_ref[0],
                         preferred_element_type=jnp.float32)
    d_sel = s - cross2_sel

    rowidx = jnp.argmin(d_sel, axis=1).astype(jnp.int32)[:, None]
    idx_pg_ref[0] = rowidx + b * n

    tile_colmin = jnp.min(d_sel, axis=0, keepdims=True)
    tile_colidx = (jnp.argmin(d_sel, axis=0).astype(jnp.int32)[None, :]
                   + i * tm)

    @pl.when(i == 0)
    def _init_col():
        colmin_ref[...] = tile_colmin
        colidx_ref[...] = tile_colidx

    @pl.when(i > 0)
    def _update_col():
        better = tile_colmin < colmin_ref[...]
        colmin_ref[...] = jnp.where(better, tile_colmin, colmin_ref[...])
        colidx_ref[...] = jnp.where(better, tile_colidx, colidx_ref[...])

    @pl.when(i == n_row_tiles - 1)
    def _finish_batch():
        idx_gp_ref[0] = colidx_ref[...] + b * m


def _reduce_kernel(self_f_ref, qf_ref, sel_b_ref, qb_ref, out_ref, acc_ref,
                   *, count, nsteps):
    k = pl.program_id(0)
    diff_f = self_f_ref[...][:, 0:3] - qf_ref[...]
    diff_b = sel_b_ref[...][:, 0:3] - qb_ref[...]
    rs_f = jnp.sum(diff_f * diff_f, axis=1, keepdims=True)
    rs_b = jnp.sum(diff_b * diff_b, axis=1, keepdims=True)
    part = (jnp.sum(jnp.sqrt(rs_f + 1e-8)) + jnp.sum(jnp.sqrt(rs_b + 1e-8)))

    @pl.when(k == 0)
    def _init():
        acc_ref[0, 0] = 0.0

    acc_ref[0, 0] += part

    @pl.when(k == nsteps - 1)
    def _finish():
        out_ref[...] = jnp.full((1, 1), acc_ref[0, 0] / count, jnp.float32)


def _sc_gather2(data_f, idx_f, data_b, idx_b):
    num_indices = idx_f.shape[1]
    width = data_f.shape[1]
    window = 128
    mesh = plsc.VectorSubcoreMesh(core_axis_name="core",
                                  subcore_axis_name="subcore")
    otype = jax.ShapeDtypeStruct((num_indices, width), data_f.dtype)

    @pl.kernel(out_type=(otype, otype), mesh=mesh)
    def gather_kernel(xf_hbm, if_hbm, xb_hbm, ib_hbm, of_hbm, ob_hbm):
        def body(if_vmem, ib_vmem, of_vmem, ob_vmem):
            pltpu.sync_copy(xf_hbm.at[if_vmem.at[0]], of_vmem)
            pltpu.sync_copy(xb_hbm.at[ib_vmem.at[0]], ob_vmem)

        idx_spec = pl.BlockSpec((1, window), index_map=lambda i: (0, i))
        out_spec = pl.BlockSpec((window, width), index_map=lambda i: (i, 0))
        pltpu.emit_pipeline(
            body,
            grid=(num_indices // window,),
            in_specs=[idx_spec, idx_spec],
            out_specs=[out_spec, out_spec],
            core_axis_name=("core", "subcore"),
            dimension_semantics=(pltpu.PARALLEL,),
        )(if_hbm, ib_hbm, of_hbm, ob_hbm)

    return gather_kernel(data_f, idx_f, data_b, idx_b)


def kernel(predict_pc, gt_pc):
    B, C, M = predict_pc.shape
    N = gt_pc.shape[2]
    TM = 2048
    n_row_tiles = M // TM

    pt = jnp.transpose(predict_pc, (0, 2, 1))
    gt = jnp.transpose(gt_pc, (0, 2, 1))
    pth = pt.astype(jnp.bfloat16)
    gh2x = (gt_pc * 2.0).astype(jnp.bfloat16)

    idx_pg, idx_gp = pl.pallas_call(
        functools.partial(_search_kernel, n_row_tiles=n_row_tiles,
                          tm=TM, n=N, m=M),
        grid=(B, n_row_tiles),
        in_specs=[
            pl.BlockSpec((1, TM, C), lambda b, i: (b, i, 0)),
            pl.BlockSpec((1, C, N), lambda b, i: (b, 0, 0)),
            pl.BlockSpec((1, TM, C), lambda b, i: (b, i, 0)),
            pl.BlockSpec((1, C, N), lambda b, i: (b, 0, 0)),
        ],
        out_specs=[
            pl.BlockSpec((1, TM, 1), lambda b, i: (b, i, 0)),
            pl.BlockSpec((1, 1, N), lambda b, i: (b, 0, 0)),
        ],
        out_shape=[
            jax.ShapeDtypeStruct((B, M, 1), jnp.int32),
            jax.ShapeDtypeStruct((B, 1, N), jnp.int32),
        ],
        scratch_shapes=[
            pltpu.VMEM((1, N), jnp.float32),
            pltpu.VMEM((1, N), jnp.int32),
        ],
        compiler_params=pltpu.CompilerParams(
            dimension_semantics=("parallel", "arbitrary")),
    )(pt, gt_pc, pth, gh2x)

    pad = ((0, 0), (0, 125))
    pt_flat = pt.reshape(B * M, C)
    gt_flat = gt.reshape(B * N, C)
    gt_rows = jnp.pad(gt_flat, pad)
    pt_rows = jnp.pad(pt_flat, pad)

    sel_f, sel_b = _sc_gather2(
        gt_rows, idx_pg.reshape(1, B * M),
        pt_rows, idx_gp.reshape(1, B * N))

    nsteps = 8
    TR = (B * M) // nsteps
    out = pl.pallas_call(
        functools.partial(_reduce_kernel, count=float(B * M), nsteps=nsteps),
        grid=(nsteps,),
        in_specs=[
            pl.BlockSpec((TR, 128), lambda k: (k, 0)),
            pl.BlockSpec((TR, C), lambda k: (k, 0)),
            pl.BlockSpec((TR, 128), lambda k: (k, 0)),
            pl.BlockSpec((TR, C), lambda k: (k, 0)),
        ],
        out_specs=pl.BlockSpec((1, 1), lambda k: (0, 0)),
        out_shape=jax.ShapeDtypeStruct((1, 1), jnp.float32),
        scratch_shapes=[pltpu.SMEM((1, 1), jnp.float32)],
    )(sel_f, pt_flat, sel_b, gt_flat)
    return out[0, 0]

# --- scband reference (transcript-rebuilt; emitter-appended) ---
"""Pipeline reference for scband-chamfer-loss-42898133352708 (READ-ONLY COPY).

The authoritative reference and input builder live on the scoring server;
editing this copy changes nothing except your own understanding.
"""

import jax, jax.numpy as jnp
import numpy as np


def setup_inputs(seed: int = 0) -> dict:
    key = jax.random.key(seed)
    k1, k2 = jax.random.split(key)
    predict_pc = jax.random.normal(k1, (8, 3, 4096), dtype=jnp.float32)
    gt_pc = jax.random.normal(k2, (8, 3, 4096), dtype=jnp.float32)
    return {"predict_pc": predict_pc, "gt_pc": gt_pc}


def _chamfer(predict_pc, gt_pc):
    # predict_pc: B x 3 x M, gt_pc: B x 3 x N
    p = jnp.transpose(predict_pc, (0, 2, 1))  # B, M, 3
    g = jnp.transpose(gt_pc, (0, 2, 1))       # B, N, 3
    p2 = jnp.sum(p * p, axis=-1)               # B, M
    g2 = jnp.sum(g * g, axis=-1)               # B, N
    cross = jnp.einsum('bmd,bnd->bmn', p, g)   # B, M, N
    d = p2[:, :, None] + g2[:, None, :] - 2.0 * cross  # squared L2, same argmin as faiss IndexFlatL2
    # nearest gt for each predict point (faiss search on gt index with predict queries)
    idx_pg = jnp.argmin(d, axis=2)              # B, M
    selected_gt_by_predict = jnp.take_along_axis(g, idx_pg[:, :, None], axis=1)  # B, M, 3
    # nearest predict for each gt point
    idx_gp = jnp.argmin(d, axis=1)              # B, N
    selected_predict_by_gt = jnp.take_along_axis(p, idx_gp[:, :, None], axis=1)  # B, N, 3
    # robust_norm: sqrt(sum over channel dim + 1e-8)
    forward_loss_element = jnp.sqrt(jnp.sum((selected_gt_by_predict - p) ** 2, axis=-1) + 1e-08)  # B, M
    backward_loss_element = jnp.sqrt(jnp.sum((selected_predict_by_gt - g) ** 2, axis=-1) + 1e-08)  # B, N
    forward_loss = jnp.mean(forward_loss_element)
    backward_loss = jnp.mean(backward_loss_element)
    return forward_loss + backward_loss


def reference(predict_pc, gt_pc):
    return _chamfer(predict_pc, gt_pc)

if __name__ == "__main__":
    import jax
    _d = setup_inputs()
    print(jax.jit(kernel)(*tuple(_d.values())))

</pallas_src>

<mosaic_0001>
#map = affine_map<(d0, d1) -> (0, 0)>
module attributes {stable_mosaic.version = 14 : i64} {
  func.func @gather_kernel(%arg0: i32, %arg1: i32, %arg2: memref<32768x128xf32, #tpu.memory_space<hbm>>, %arg3: memref<1x32768xi32, #tpu.memory_space<hbm>>, %arg4: memref<32768x128xf32, #tpu.memory_space<hbm>>, %arg5: memref<1x32768xi32, #tpu.memory_space<hbm>>, %arg6: memref<32768x128xf32, #tpu.memory_space<hbm>>, %arg7: memref<32768x128xf32, #tpu.memory_space<hbm>>) attributes {dimension_semantics = [#tpu.dimension_semantics<core_parallel>, #tpu.dimension_semantics<subcore_parallel>], iteration_bounds = array<i64: 2, 16>, scalar_prefetch = 0 : i64, scratch_operands = 0 : i64, tpu.core_type = #tpu.core_type<sc_vector_subcore>, window_params = [{transform_indices = #map}, {transform_indices = #map}, {transform_indices = #map}, {transform_indices = #map}, {transform_indices = #map}, {transform_indices = #map}]} {
    %mul3A = arith.constant 1 : i32
    %mul3A_0 = arith.muli %arg1, %mul3A : i32
    %add3A = arith.constant 0 : i32
    %add3A_1 = arith.addi %add3A, %mul3A_0 : i32
    %mul3A_2 = arith.constant 16 : i32
    %mul3A_3 = arith.muli %arg0, %mul3A_2 : i32
    %add3A_4 = arith.addi %add3A_1, %mul3A_3 : i32
    %mul3A_5 = arith.constant 8 : i32
    %mul3A_6 = arith.muli %add3A_4, %mul3A_5 : i32
    "tpu.region"() ({
      %run_scoped3A = memref.alloca() : memref<2x1x128xi32, #tpu.memory_space<vmem>>
      %run_scoped3A_7 = tpu.sem_alloc : memref<2x!tpu.dma_semaphore, #tpu.memory_space<semaphore_mem>>
      %run_scoped3A_8 = memref.alloca() : memref<2x1x128xi32, #tpu.memory_space<vmem>>
      %run_scoped3A_9 = tpu.sem_alloc : memref<2x!tpu.dma_semaphore, #tpu.memory_space<semaphore_mem>>
      %run_scoped3A_10 = memref.alloca() : memref<2x128x128xf32, #tpu.memory_space<vmem>>
      %run_scoped3A_11 = tpu.sem_alloc : memref<2x!tpu.dma_semaphore, #tpu.memory_space<semaphore_mem>>
      %run_scoped3A_12 = memref.alloca() : memref<2x128x128xf32, #tpu.memory_space<vmem>>
      %run_scoped3A_13 = tpu.sem_alloc : memref<2x!tpu.dma_semaphore, #tpu.memory_space<semaphore_mem>>
      %add3A_14 = arith.constant 0 : i32
      %add3A_15 = arith.addi %add3A_14, %mul3A_6 : i32
      %select_n3A = arith.constant true
      %select_n3A_16 = arith.constant 0 : i32
      %select_n3A_17 = arith.constant -1 : i32
      %select_n3A_18 = arith.select %select_n3A, %select_n3A_17, %select_n3A_16 : i32
      %eq3A = arith.constant -1 : i32
      %eq3A_19 = arith.cmpi eq, %select_n3A_18, %eq3A : i32
      %select_n3A_20 = arith.constant 7 : i32
      %select_n3A_21 = arith.select %eq3A_19, %select_n3A_20, %select_n3A_18 : i32
      %add3A_22 = arith.addi %select_n3A_21, %mul3A_6 : i32
      %select_n3A_23 = arith.constant true
      %select_n3A_24 = arith.constant 0 : i32
      %select_n3A_25 = arith.constant 1 : i32
      %select_n3A_26 = arith.select %select_n3A_23, %select_n3A_25, %select_n3A_24 : i32
      %eq3A_27 = arith.constant 8 : i32
      %eq3A_28 = arith.cmpi eq, %select_n3A_26, %eq3A_27 : i32
      %select_n3A_29 = arith.constant 0 : i32
      %select_n3A_30 = arith.select %eq3A_28, %select_n3A_29, %select_n3A_26 : i32
      %add3A_31 = arith.addi %select_n3A_30, %mul3A_6 : i32
      %add3A_32 = arith.constant 1 : i32
      %add3A_33 = arith.addi %select_n3A_30, %add3A_32 : i32
      %select_n3A_34 = arith.constant true
      %select_n3A_35 = arith.select %select_n3A_34, %add3A_33, %select_n3A_30 : i32
      %eq3A_36 = arith.constant 8 : i32
      %eq3A_37 = arith.cmpi eq, %select_n3A_35, %eq3A_36 : i32
      %select_n3A_38 = arith.constant 0 : i32
      %select_n3A_39 = arith.select %eq3A_37, %select_n3A_38, %select_n3A_35 : i32
      %add3A_40 = arith.addi %select_n3A_39, %mul3A_6 : i32
      "tpu.trace_start"() <{level = 10 : i32, message = "ep_initialize_0"}> : () -> ()
      %rem3A = arith.constant 0 : i32
      %rem3A_41 = arith.constant 2 : i32
      %rem3A_42 = arith.remui %rem3A, %rem3A_41 : i32
      %mul3A_43 = arith.constant 128 : i32
      %mul3A_44 = arith.muli %mul3A_43, %add3A_15 : i32
      %dma_start3A = arith.constant 0 : i32
      %dma_start3A_45 = arith.constant 0 : i32
      %dma_start3A_46 = tpu.memref_slice %run_scoped3A[%rem3A_42, %dma_start3A, %dma_start3A_45] : memref<2x1x128xi32, #tpu.memory_space<vmem>> -> memref<1x1x128xi32, #tpu.memory_space<vmem>>
      %dma_start3A_47 = tpu.memref_squeeze %dma_start3A_46 : memref<1x1x128xi32, #tpu.memory_space<vmem>> -> memref<1x128xi32, #tpu.memory_space<vmem>>
      %dma_start3A_48 = arith.constant 0 : i32
      %dma_start3A_49 = tpu.memref_slice %arg3[%dma_start3A_48, %mul3A_44] : memref<1x32768xi32, #tpu.memory_space<hbm>> -> memref<1x128xi32, #tpu.memory_space<hbm>>
      %dma_start3A_50 = tpu.memref_slice %run_scoped3A_7[%rem3A_42] : memref<2x!tpu.dma_semaphore, #tpu.memory_space<semaphore_mem>> -> memref<1x!tpu.dma_semaphore, #tpu.memory_space<semaphore_mem>>
      %dma_start3A_51 = tpu.memref_squeeze %dma_start3A_50 : memref<1x!tpu.dma_semaphore, #tpu.memory_space<semaphore_mem>> -> memref<!tpu.dma_semaphore, #tpu.memory_space<semaphore_mem>>
      %dma_start3A_52 = arith.constant 0 : i32
      %dma_start3A_53 = arith.constant 0 : i32
      %dma_start3A_54 = tpu.memref_slice %run_scoped3A[%rem3A_42, %dma_start3A_52, %dma_start3A_53] : memref<2x1x128xi32, #tpu.memory_space<vmem>> -> memref<1x1x128xi32, #tpu.memory_space<vmem>>
      %dma_start3A_55 = tpu.memref_squeeze %dma_start3A_54 : memref<1x1x128xi32, #tpu.memory_space<vmem>> -> memref<1x128xi32, #tpu.memory_space<vmem>>
      %dma_start3A_56 = arith.constant 0 : i32
      %dma_start3A_57 = tpu.memref_slice %arg3[%dma_start3A_56, %mul3A_44] : memref<1x32768xi32, #tpu.memory_space<hbm>> -> memref<1x128xi32, #tpu.memory_space<hbm>>
      tpu.enqueue_dma source(%dma_start3A_57 : memref<1x128xi32, #tpu.memory_space<hbm>>) target(%dma_start3A_55 : memref<1x128xi32, #tpu.memory_space<vmem>>) target_semaphore(%dma_start3A_51 : memref<!tpu.dma_semaphore, #tpu.memory_space<semaphore_mem>>)
      %add3A_58 = arith.constant 0 : i32
      %add3A_59 = arith.constant 1 : i32
      %add3A_60 = arith.addi %add3A_58, %add3A_59 : i32
      %select_n3A_61 = arith.constant true
      %select_n3A_62 = arith.constant 0 : i32
      %select_n3A_63 = arith.select %select_n3A_61, %add3A_60, %select_n3A_62 : i32
      %rem3A_64 = arith.constant 0 : i32
      %rem3A_65 = arith.constant 2 : i32
      %rem3A_66 = arith.remui %rem3A_64, %rem3A_65 : i32
      %mul3A_67 = arith.constant 128 : i32
      %mul3A_68 = arith.muli %mul3A_67, %add3A_15 : i32
      %dma_start3A_69 = arith.constant 0 : i32
      %dma_start3A_70 = arith.constant 0 : i32
      %dma_start3A_71 = tpu.memref_slice %run_scoped3A_8[%rem3A_66, %dma_start3A_69, %dma_start3A_70] : memref<2x1x128xi32, #tpu.memory_space<vmem>> -> memref<1x1x128xi32, #tpu.memory_space<vmem>>
      %dma_start3A_72 = tpu.memref_squeeze %dma_start3A_71 : memref<1x1x128xi32, #tpu.memory_space<vmem>> -> memref<1x128xi32, #tpu.memory_space<vmem>>
      %dma_start3A_73 = arith.constant 0 : i32
      %dma_start3A_74 = tpu.memref_slice %arg5[%dma_start3A_73, %mul3A_68] : memref<1x32768xi32, #tpu.memory_space<hbm>> -> memref<1x128xi32, #tpu.memory_space<hbm>>
      %dma_start3A_75 = tpu.memref_slice %run_scoped3A_9[%rem3A_66] : memref<2x!tpu.dma_semaphore, #tpu.memory_space<semaphore_mem>> -> memref<1x!tpu.dma_semaphore, #tpu.memory_space<semaphore_mem>>
      %dma_start3A_76 = tpu.memref_squeeze %dma_start3A_75 : memref<1x!tpu.dma_semaphore, #tpu.memory_space<semaphore_mem>> -> memref<!tpu.dma_semaphore, #tpu.memory_space<semaphore_mem>>
      %dma_start3A_77 = arith.constant 0 : i32
      %dma_start3A_78 = arith.constant 0 : i32
      %dma_start3A_79 = tpu.memref_slice %run_scoped3A_8[%rem3A_66, %dma_start3A_77, %dma_start3A_78] : memref<2x1x128xi32, #tpu.memory_space<vmem>> -> memref<1x1x128xi32, #tpu.memory_space<vmem>>
      %dma_start3A_80 = tpu.memref_squeeze %dma_start3A_79 : memref<1x1x128xi32, #tpu.memory_space<vmem>> -> memref<1x128xi32, #tpu.memory_space<vmem>>
      %dma_start3A_81 = arith.constant 0 : i32
      %dma_start3A_82 = tpu.memref_slice %arg5[%dma_start3A_81, %mul3A_68] : memref<1x32768xi32, #tpu.memory_space<hbm>> -> memref<1x128xi32, #tpu.memory_space<hbm>>
      tpu.enqueue_dma source(%dma_start3A_82 : memref<1x128xi32, #tpu.memory_space<hbm>>) target(%dma_start3A_80 : memref<1x128xi32, #tpu.memory_space<vmem>>) target_semaphore(%dma_start3A_76 : memref<!tpu.dma_semaphore, #tpu.memory_space<semaphore_mem>>)
      %add3A_83 = arith.constant 0 : i32
      %add3A_84 = arith.constant 1 : i32
      %add3A_85 = arith.addi %add3A_83, %add3A_84 : i32
      %select_n3A_86 = arith.constant true
      %select_n3A_87 = arith.constant 0 : i32
      %select_n3A_88 = arith.select %select_n3A_86, %add3A_85, %select_n3A_87 : i32
      "tpu.trace_stop"() : () -> ()
      %scan3A = arith.constant 0 : i32
      %scan3A_89 = arith.constant 0 : i32
      %scan3A_90 = arith.constant 0 : i32
      %scan3A_91 = arith.constant 0 : i32
      %scan3A_92 = arith.constant 0 : i32
      %scan3A_93 = arith.constant 0 : i32
      %scan3A_94 = arith.constant 0 : i32
      %scan3A_95 = arith.constant 0 : i32
      %scan3A_96 = arith.constant 8 : i32
      %scan3A_97 = arith.addi %scan3A_95, %scan3A_96 : i32
      %scan3A_98 = arith.constant 1 : i32
      %scan3A_99:9 = scf.for %scan3A_171 = %scan3A_95 to %scan3A_97 step %scan3A_98 iter_args(%scan3A_172 = %select_n3A_63, %scan3A_173 = %scan3A, %scan3A_174 = %select_n3A_88, %scan3A_175 = %scan3A_89, %scan3A_176 = %scan3A_90, %scan3A_177 = %scan3A_91, %scan3A_178 = %scan3A_92, %scan3A_179 = %scan3A_93, %scan3A_180 = %scan3A_94) -> (i32, i32, i32, i32, i32, i32, i32, i32, i32)  : i32 {
        %eq3A_181 = arith.constant 0 : i32
        %eq3A_182 = arith.cmpi eq, %scan3A_171, %eq3A_181 : i32
        %eq3A_183 = arith.constant 7 : i32
        %eq3A_184 = arith.cmpi eq, %scan3A_171, %eq3A_183 : i32
        %add3A_185 = arith.addi %scan3A_180, %mul3A_6 : i32
        %sub3A_186 = arith.constant 1 : i32
        %sub3A_187 = arith.subi %scan3A_180, %sub3A_186 : i32
        %select_n3A_188 = arith.constant true
        %select_n3A_189 = arith.select %select_n3A_188, %sub3A_187, %scan3A_180 : i32
        %eq3A_190 = arith.constant -1 : i32
        %eq3A_191 = arith.cmpi eq, %select_n3A_189, %eq3A_190 : i32
        %select_n3A_192 = arith.constant 7 : i32
        %select_n3A_193 = arith.select %eq3A_191, %select_n3A_192, %select_n3A_189 : i32
        %add3A_194 = arith.addi %select_n3A_193, %mul3A_6 : i32
        %add3A_195 = arith.constant 1 : i32
        %add3A_196 = arith.addi %scan3A_180, %add3A_195 : i32
        %select_n3A_197 = arith.constant true
        %select_n3A_198 = arith.select %select_n3A_197, %add3A_196, %scan3A_180 : i32
        %eq3A_199 = arith.constant 8 : i32
        %eq3A_200 = arith.cmpi eq, %select_n3A_198, %eq3A_199 : i32
        %select_n3A_201 = arith.constant 0 : i32
        %select_n3A_202 = arith.select %eq3A_200, %select_n3A_201, %select_n3A_198 : i32
        %add3A_203 = arith.addi %select_n3A_202, %mul3A_6 : i32
        %add3A_204 = arith.constant 1 : i32
        %add3A_205 = arith.addi %select_n3A_202, %add3A_204 : i32
        %select_n3A_206 = arith.constant true
        %select_n3A_207 = arith.select %select_n3A_206, %add3A_205, %select_n3A_202 : i32
        %eq3A_208 = arith.constant 8 : i32
        %eq3A_209 = arith.cmpi eq, %select_n3A_207, %eq3A_208 : i32
        %select_n3A_210 = arith.constant 0 : i32
        %select_n3A_211 = arith.select %eq3A_209, %select_n3A_210, %select_n3A_207 : i32
        %add3A_212 = arith.addi %select_n3A_211, %mul3A_6 : i32
        %ne3A = arith.cmpi ne, %add3A_185, %add3A_203 : i32
        %or3A = arith.constant false
        %or3A_213 = arith.ori %or3A, %ne3A : i1
        %ge3A = arith.constant 7 : i32
        %ge3A_214 = arith.cmpi sge, %scan3A_171, %ge3A : i32
        %not3A = arith.constant true
        %not3A_215 = arith.xori %ge3A_214, %not3A : i1
        %and3A = arith.andi %or3A_213, %not3A_215 : i1
        %convert_element_type3A = arith.extui %and3A : i1 to i32
        %cond3A = arith.constant 0 : i32
        %cond3A_216 = arith.cmpi ne, %convert_element_type3A, %cond3A : i32
        scf.if %cond3A_216 {
          "tpu.trace_start"() <{level = 10 : i32, message = "ep_copy_in"}> : () -> ()
          %rem3A_422 = arith.constant 2 : i32
          %rem3A_423 = arith.remui %scan3A_172, %rem3A_422 : i32
          %mul3A_424 = arith.constant 128 : i32
          %mul3A_425 = arith.muli %mul3A_424, %add3A_203 : i32
          %dma_start3A_426 = arith.constant 0 : i32
          %dma_start3A_427 = arith.constant 0 : i32
          %dma_start3A_428 = tpu.memref_slice %run_scoped3A[%rem3A_423, %dma_start3A_426, %dma_start3A_427] : memref<2x1x128xi32, #tpu.memory_space<vmem>> -> memref<1x1x128xi32, #tpu.memory_space<vmem>>
          %dma_start3A_429 = tpu.memref_squeeze %dma_start3A_428 : memref<1x1x128xi32, #tpu.memory_space<vmem>> -> memref<1x128xi32, #tpu.memory_space<vmem>>
          %dma_start3A_430 = arith.constant 0 : i32
          %dma_start3A_431 = tpu.memref_slice %arg3[%dma_start3A_430, %mul3A_425] : memref<1x32768xi32, #tpu.memory_space<hbm>> -> memref<1x128xi32, #tpu.memory_space<hbm>>
          %dma_start3A_432 = tpu.memref_slice %run_scoped3A_7[%rem3A_423] : memref<2x!tpu.dma_semaphore, #tpu.memory_space<semaphore_mem>> -> memref<1x!tpu.dma_semaphore, #tpu.memory_space<semaphore_mem>>
          %dma_start3A_433 = tpu.memref_squeeze %dma_start3A_432 : memref<1x!tpu.dma_semaphore, #tpu.memory_space<semaphore_mem>> -> memref<!tpu.dma_semaphore, #tpu.memory_space<semaphore_mem>>
          %dma_start3A_434 = arith.constant 0 : i32
          %dma_start3A_435 = arith.constant 0 : i32
          %dma_start3A_436 = tpu.memref_slice %run_scoped3A[%rem3A_423, %dma_start3A_434, %dma_start3A_435] : memref<2x1x128xi32, #tpu.memory_space<vmem>> -> memref<1x1x128xi32, #tpu.memory_space<vmem>>
          %dma_start3A_437 = tpu.memref_squeeze %dma_start3A_436 : memref<1x1x128xi32, #tpu.memory_space<vmem>> -> memref<1x128xi32, #tpu.memory_space<vmem>>
          %dma_start3A_438 = arith.constant 0 : i32
          %dma_start3A_439 = tpu.memref_slice %arg3[%dma_start3A_438, %mul3A_425] : memref<1x32768xi32, #tpu.memory_space<hbm>> -> memref<1x128xi32, #tpu.memory_space<hbm>>
          tpu.enqueue_dma source(%dma_start3A_439 : memref<1x128xi32, #tpu.memory_space<hbm>>) target(%dma_start3A_437 : memref<1x128xi32, #tpu.memory_space<vmem>>) target_semaphore(%dma_start3A_433 : memref<!tpu.dma_semaphore, #tpu.memory_space<semaphore_mem>>)
          "tpu.trace_stop"() : () -> ()
        } else {
        }
        %and3A_217 = arith.constant true
        %and3A_218 = arith.andi %and3A, %and3A_217 : i1
        %add3A_219 = arith.constant 1 : i32
        %add3A_220 = arith.addi %scan3A_172, %add3A_219 : i32
        %select_n3A_221 = arith.select %and3A_218, %add3A_220, %scan3A_172 : i32
        %ne3A_222 = arith.cmpi ne, %add3A_185, %add3A_203 : i32
        %or3A_223 = arith.constant false
        %or3A_224 = arith.ori %or3A_223, %ne3A_222 : i1
        %ge3A_225 = arith.constant 7 : i32
        %ge3A_226 = arith.cmpi sge, %scan3A_171, %ge3A_225 : i32
        %not3A_227 = arith.constant true
        %not3A_228 = arith.xori %ge3A_226, %not3A_227 : i1
        %and3A_229 = arith.andi %or3A_224, %not3A_228 : i1
        %convert_element_type3A_230 = arith.extui %and3A_229 : i1 to i32
        %cond3A_231 = arith.constant 0 : i32
        %cond3A_232 = arith.cmpi ne, %convert_element_type3A_230, %cond3A_231 : i32
        scf.if %cond3A_232 {
          "tpu.trace_start"() <{level = 10 : i32, message = "ep_copy_in"}> : () -> ()
          %rem3A_422 = arith.constant 2 : i32
          %rem3A_423 = arith.remui %scan3A_174, %rem3A_422 : i32
          %mul3A_424 = arith.constant 128 : i32
          %mul3A_425 = arith.muli %mul3A_424, %add3A_203 : i32
          %dma_start3A_426 = arith.constant 0 : i32
          %dma_start3A_427 = arith.constant 0 : i32
          %dma_start3A_428 = tpu.memref_slice %run_scoped3A_8[%rem3A_423, %dma_start3A_426, %dma_start3A_427] : memref<2x1x128xi32, #tpu.memory_space<vmem>> -> memref<1x1x128xi32, #tpu.memory_space<vmem>>
          %dma_start3A_429 = tpu.memref_squeeze %dma_start3A_428 : memref<1x1x128xi32, #tpu.memory_space<vmem>> -> memref<1x128xi32, #tpu.memory_space<vmem>>
          %dma_start3A_430 = arith.constant 0 : i32
          %dma_start3A_431 = tpu.memref_slice %arg5[%dma_start3A_430, %mul3A_425] : memref<1x32768xi32, #tpu.memory_space<hbm>> -> memref<1x128xi32, #tpu.memory_space<hbm>>
          %dma_start3A_432 = tpu.memref_slice %run_scoped3A_9[%rem3A_423] : memref<2x!tpu.dma_semaphore, #tpu.memory_space<semaphore_mem>> -> memref<1x!tpu.dma_semaphore, #tpu.memory_space<semaphore_mem>>
          %dma_start3A_433 = tpu.memref_squeeze %dma_start3A_432 : memref<1x!tpu.dma_semaphore, #tpu.memory_space<semaphore_mem>> -> memref<!tpu.dma_semaphore, #tpu.memory_space<semaphore_mem>>
          %dma_start3A_434 = arith.constant 0 : i32
          %dma_start3A_435 = arith.constant 0 : i32
          %dma_start3A_436 = tpu.memref_slice %run_scoped3A_8[%rem3A_423, %dma_start3A_434, %dma_start3A_435] : memref<2x1x128xi32, #tpu.memory_space<vmem>> -> memref<1x1x128xi32, #tpu.memory_space<vmem>>
          %dma_start3A_437 = tpu.memref_squeeze %dma_start3A_436 : memref<1x1x128xi32, #tpu.memory_space<vmem>> -> memref<1x128xi32, #tpu.memory_space<vmem>>
          %dma_start3A_438 = arith.constant 0 : i32
          %dma_start3A_439 = tpu.memref_slice %arg5[%dma_start3A_438, %mul3A_425] : memref<1x32768xi32, #tpu.memory_space<hbm>> -> memref<1x128xi32, #tpu.memory_space<hbm>>
          tpu.enqueue_dma source(%dma_start3A_439 : memref<1x128xi32, #tpu.memory_space<hbm>>) target(%dma_start3A_437 : memref<1x128xi32, #tpu.memory_space<vmem>>) target_semaphore(%dma_start3A_433 : memref<!tpu.dma_semaphore, #tpu.memory_space<semaphore_mem>>)
          "tpu.trace_stop"() : () -> ()
        } else {
        }
        %and3A_233 = arith.constant true
        %and3A_234 = arith.andi %and3A_229, %and3A_233 : i1
        %add3A_235 = arith.constant 1 : i32
        %add3A_236 = arith.addi %scan3A_174, %add3A_235 : i32
        %select_n3A_237 = arith.select %and3A_234, %add3A_236, %scan3A_174 : i32
        %ne3A_238 = arith.cmpi ne, %add3A_185, %add3A_203 : i32
        %or3A_239 = arith.constant false
        %or3A_240 = arith.ori %or3A_239, %ne3A_238 : i1
        %or3A_241 = arith.constant false
        %or3A_242 = arith.ori %or3A_240, %or3A_241 : i1
        %ge3A_243 = arith.constant 7 : i32
        %ge3A_244 = arith.cmpi sge, %scan3A_171, %ge3A_243 : i32
        %not3A_245 = arith.constant true
        %not3A_246 = arith.xori %ge3A_244, %not3A_245 : i1
        %and3A_247 = arith.andi %or3A_242, %not3A_246 : i1
        %ne3A_248 = arith.cmpi ne, %add3A_185, %add3A_203 : i32
        %or3A_249 = arith.constant false
        %or3A_250 = arith.ori %or3A_249, %ne3A_248 : i1
        %or3A_251 = arith.constant false
        %or3A_252 = arith.ori %or3A_250, %or3A_251 : i1
        %ge3A_253 = arith.constant 7 : i32
        %ge3A_254 = arith.cmpi sge, %scan3A_171, %ge3A_253 : i32
        %not3A_255 = arith.constant true
        %not3A_256 = arith.xori %ge3A_254, %not3A_255 : i1
        %and3A_257 = arith.andi %or3A_252, %not3A_256 : i1
        %ne3A_258 = arith.cmpi ne, %add3A_185, %add3A_194 : i32
        %or3A_259 = arith.constant false
        %or3A_260 = arith.ori %or3A_259, %ne3A_258 : i1
        %or3A_261 = arith.ori %or3A_260, %eq3A_182 : i1
        %convert_element_type3A_262 = arith.extui %or3A_261 : i1 to i32
        %cond3A_263 = arith.constant 0 : i32
        %cond3A_264 = arith.cmpi ne, %convert_element_type3A_262, %cond3A_263 : i32
        scf.if %cond3A_264 {
          "tpu.trace_start"() <{level = 10 : i32, message = "ep_wait_in"}> : () -> ()
          %mul3A_422 = arith.constant 128 : i32
          %mul3A_423 = arith.muli %mul3A_422, %add3A_185 : i32
          %rem3A_424 = arith.constant 2 : i32
          %rem3A_425 = arith.remui %scan3A_173, %rem3A_424 : i32
          %dma_wait3A_426 = arith.constant 0 : i32
          %dma_wait3A_427 = arith.constant 0 : i32
          %dma_wait3A_428 = tpu.memref_slice %run_scoped3A[%rem3A_425, %dma_wait3A_426, %dma_wait3A_427] : memref<2x1x128xi32, #tpu.memory_space<vmem>> -> memref<1x1x128xi32, #tpu.memory_space<vmem>>
          %dma_wait3A_429 = tpu.memref_squeeze %dma_wait3A_428 : memref<1x1x128xi32, #tpu.memory_space<vmem>> -> memref<1x128xi32, #tpu.memory_space<vmem>>
          %dma_wait3A_430 = arith.constant 0 : i32
          %dma_wait3A_431 = tpu.memref_slice %arg3[%dma_wait3A_430, %mul3A_423] : memref<1x32768xi32, #tpu.memory_space<hbm>> -> memref<1x128xi32, #tpu.memory_space<hbm>>
          %dma_wait3A_432 = tpu.memref_slice %run_scoped3A_7[%rem3A_425] : memref<2x!tpu.dma_semaphore, #tpu.memory_space<semaphore_mem>> -> memref<1x!tpu.dma_semaphore, #tpu.memory_space<semaphore_mem>>
          %dma_wait3A_433 = tpu.memref_squeeze %dma_wait3A_432 : memref<1x!tpu.dma_semaphore, #tpu.memory_space<semaphore_mem>> -> memref<!tpu.dma_semaphore, #tpu.memory_space<semaphore_mem>>
          %dma_wait3A_434 = arith.constant 0 : i32
          %dma_wait3A_435 = arith.constant 0 : i32
          %dma_wait3A_436 = tpu.memref_slice %run_scoped3A[%rem3A_425, %dma_wait3A_434, %dma_wait3A_435] : memref<2x1x128xi32, #tpu.memory_space<vmem>> -> memref<1x1x128xi32, #tpu.memory_space<vmem>>
          %dma_wait3A_437 = tpu.memref_squeeze %dma_wait3A_436 : memref<1x1x128xi32, #tpu.memory_space<vmem>> -> memref<1x128xi32, #tpu.memory_space<vmem>>
          %dma_wait3A_438 = arith.constant 0 : i32
          %dma_wait3A_439 = tpu.memref_slice %arg3[%dma_wait3A_438, %mul3A_423] : memref<1x32768xi32, #tpu.memory_space<hbm>> -> memref<1x128xi32, #tpu.memory_space<hbm>>
          tpu.wait_dma2 semaphore(%dma_wait3A_433 : memref<!tpu.dma_semaphore, #tpu.memory_space<semaphore_mem>>) src(%dma_wait3A_439 : memref<1x128xi32, #tpu.memory_space<hbm>>) dst(%dma_wait3A_437 : memref<1x128xi32, #tpu.memory_space<vmem>>)
          "tpu.trace_stop"() : () -> ()
        } else {
        }
        %ne3A_265 = arith.cmpi ne, %add3A_185, %add3A_194 : i32
        %or3A_266 = arith.constant false
        %or3A_267 = arith.ori %or3A_266, %ne3A_265 : i1
        %or3A_268 = arith.ori %or3A_267, %eq3A_182 : i1
        %convert_element_type3A_269 = arith.extui %or3A_268 : i1 to i32
        %cond3A_270 = arith.constant 0 : i32
        %cond3A_271 = arith.cmpi ne, %convert_element_type3A_269, %cond3A_270 : i32
        scf.if %cond3A_271 {
          "tpu.trace_start"() <{level = 10 : i32, message = "ep_wait_in"}> : () -> ()
          %mul3A_422 = arith.constant 128 : i32
          %mul3A_423 = arith.muli %mul3A_422, %add3A_185 : i32
          %rem3A_424 = arith.constant 2 : i32
          %rem3A_425 = arith.remui %scan3A_175, %rem3A_424 : i32
          %dma_wait3A_426 = arith.constant 0 : i32
          %dma_wait3A_427 = arith.constant 0 : i32
          %dma_wait3A_428 = tpu.memref_slice %run_scoped3A_8[%rem3A_425, %dma_wait3A_426, %dma_wait3A_427] : memref<2x1x128xi32, #tpu.memory_space<vmem>> -> memref<1x1x128xi32, #tpu.memory_space<vmem>>
          %dma_wait3A_429 = tpu.memref_squeeze %dma_wait3A_428 : memref<1x1x128xi32, #tpu.memory_space<vmem>> -> memref<1x128xi32, #tpu.memory_space<vmem>>
          %dma_wait3A_430 = arith.constant 0 : i32
          %dma_wait3A_431 = tpu.memref_slice %arg5[%dma_wait3A_430, %mul3A_423] : memref<1x32768xi32, #tpu.memory_space<hbm>> -> memref<1x128xi32, #tpu.memory_space<hbm>>
          %dma_wait3A_432 = tpu.memref_slice %run_scoped3A_9[%rem3A_425] : memref<2x!tpu.dma_semaphore, #tpu.memory_space<semaphore_mem>> -> memref<1x!tpu.dma_semaphore, #tpu.memory_space<semaphore_mem>>
          %dma_wait3A_433 = tpu.memref_squeeze %dma_wait3A_432 : memref<1x!tpu.dma_semaphore, #tpu.memory_space<semaphore_mem>> -> memref<!tpu.dma_semaphore, #tpu.memory_space<semaphore_mem>>
          %dma_wait3A_434 = arith.constant 0 : i32
          %dma_wait3A_435 = arith.constant 0 : i32
          %dma_wait3A_436 = tpu.memref_slice %run_scoped3A_8[%rem3A_425, %dma_wait3A_434, %dma_wait3A_435] : memref<2x1x128xi32, #tpu.memory_space<vmem>> -> memref<1x1x128xi32, #tpu.memory_space<vmem>>
          %dma_wait3A_437 = tpu.memref_squeeze %dma_wait3A_436 : memref<1x1x128xi32, #tpu.memory_space<vmem>> -> memref<1x128xi32, #tpu.memory_space<vmem>>
          %dma_wait3A_438 = arith.constant 0 : i32
          %dma_wait3A_439 = tpu.memref_slice %arg5[%dma_wait3A_438, %mul3A_423] : memref<1x32768xi32, #tpu.memory_space<hbm>> -> memref<1x128xi32, #tpu.memory_space<hbm>>
          tpu.wait_dma2 semaphore(%dma_wait3A_433 : memref<!tpu.dma_semaphore, #tpu.memory_space<semaphore_mem>>) src(%dma_wait3A_439 : memref<1x128xi32, #tpu.memory_space<hbm>>) dst(%dma_wait3A_437 : memref<1x128xi32, #tpu.memory_space<vmem>>)
          "tpu.trace_stop"() : () -> ()
        } else {
        }
        %ne3A_272 = arith.cmpi ne, %add3A_185, %add3A_194 : i32
        %or3A_273 = arith.constant false
        %or3A_274 = arith.ori %or3A_273, %ne3A_272 : i1
        %or3A_275 = arith.constant false
        %or3A_276 = arith.ori %or3A_274, %or3A_275 : i1
        %or3A_277 = arith.ori %or3A_276, %eq3A_182 : i1
        %convert_element_type3A_278 = arith.extui %or3A_277 : i1 to i32
        %cond3A_279 = arith.constant 0 : i32
        %cond3A_280 = arith.cmpi ne, %convert_element_type3A_278, %cond3A_279 : i32
        scf.if %cond3A_280 {
        } else {
        }
        %ne3A_281 = arith.cmpi ne, %add3A_185, %add3A_194 : i32
        %or3A_282 = arith.constant false
        %or3A_283 = arith.ori %or3A_282, %ne3A_281 : i1
        %or3A_284 = arith.constant false
        %or3A_285 = arith.ori %or3A_283, %or3A_284 : i1
        %or3A_286 = arith.ori %or3A_285, %eq3A_182 : i1
        %convert_element_type3A_287 = arith.extui %or3A_286 : i1 to i32
        %cond3A_288 = arith.constant 0 : i32
        %cond3A_289 = arith.cmpi ne, %convert_element_type3A_287, %cond3A_288 : i32
        scf.if %cond3A_289 {
        } else {
        }
        %rem3A_290 = arith.constant 2 : i32
        %rem3A_291 = arith.remui %scan3A_173, %rem3A_290 : i32
        %rem3A_292 = arith.constant 2 : i32
        %rem3A_293 = arith.remui %scan3A_175, %rem3A_292 : i32
        %rem3A_294 = arith.constant 2 : i32
        %rem3A_295 = arith.remui %scan3A_176, %rem3A_294 : i32
        %rem3A_296 = arith.constant 2 : i32
        %rem3A_297 = arith.remui %scan3A_178, %rem3A_296 : i32
        %run_scoped3A_298 = arith.constant 0 : i32
        "tpu.trace_start"() <{level = 10 : i32, message = "ep_run_kernel"}> : () -> ()
        "tpu.region"() ({
          %run_scoped3A_422 = tpu.sem_alloc : memref<!tpu.dma_semaphore, #tpu.memory_space<semaphore_mem>>
          %dma_start3A_423 = arith.constant 0 : i32
          %dma_start3A_424 = arith.constant 0 : i32
          %dma_start3A_425 = tpu.memref_slice %run_scoped3A_10[%rem3A_295, %dma_start3A_423, %dma_start3A_424] : memref<2x128x128xf32, #tpu.memory_space<vmem>> -> memref<1x128x128xf32, #tpu.memory_space<vmem>>
          %dma_start3A_426 = tpu.memref_squeeze %dma_start3A_425 : memref<1x128x128xf32, #tpu.memory_space<vmem>> -> memref<128x128xf32, #tpu.memory_space<vmem>>
          %dma_start3A_427 = arith.constant 0 : i32
          %dma_start3A_428 = arith.constant 0 : i32
          %dma_start3A_429 = tpu.memref_slice %run_scoped3A[%rem3A_291, %dma_start3A_427, %dma_start3A_428] : memref<2x1x128xi32, #tpu.memory_space<vmem>> -> memref<1x1x128xi32, #tpu.memory_space<vmem>>
          %dma_start3A_430 = tpu.memref_squeeze %dma_start3A_429 : memref<1x1x128xi32, #tpu.memory_space<vmem>> -> memref<1x128xi32, #tpu.memory_space<vmem>>
          %dma_start3A_431 = arith.constant 0 : i32
          %dma_start3A_432 = tpu.memref_slice %dma_start3A_430[%run_scoped3A_298, %dma_start3A_431] : memref<1x128xi32, #tpu.memory_space<vmem>> -> memref<1x128xi32, #tpu.memory_space<vmem>>
          %dma_start3A_433 = tpu.memref_squeeze %dma_start3A_432 : memref<1x128xi32, #tpu.memory_space<vmem>> -> memref<128xi32, #tpu.memory_space<vmem>>
          %dma_start3A_434 = arith.constant 0 : i32
          %dma_start3A_435 = arith.constant 0 : i32
          %dma_start3A_436 = tpu.memref_slice %arg2[%dma_start3A_434, %dma_start3A_435] : memref<32768x128xf32, #tpu.memory_space<hbm>> -> memref<32768x128xf32, #tpu.memory_space<hbm>>
          tpu.enqueue_indirect_dma source(%dma_start3A_436 : memref<32768x128xf32, #tpu.memory_space<hbm>>) target(%dma_start3A_426 : memref<128x128xf32, #tpu.memory_space<vmem>>) offsets(%dma_start3A_433 : memref<128xi32, #tpu.memory_space<vmem>>) semaphore(%run_scoped3A_422 : memref<!tpu.dma_semaphore, #tpu.memory_space<semaphore_mem>>)
          %dma_wait3A_437 = arith.constant 0 : i32
          %dma_wait3A_438 = arith.constant 0 : i32
          %dma_wait3A_439 = tpu.memref_slice %run_scoped3A_10[%rem3A_295, %dma_wait3A_437, %dma_wait3A_438] : memref<2x128x128xf32, #tpu.memory_space<vmem>> -> memref<1x128x128xf32, #tpu.memory_space<vmem>>
          %dma_wait3A_440 = tpu.memref_squeeze %dma_wait3A_439 : memref<1x128x128xf32, #tpu.memory_space<vmem>> -> memref<128x128xf32, #tpu.memory_space<vmem>>
          %dma_wait3A_441 = arith.constant 0 : i32
          %dma_wait3A_442 = arith.constant 0 : i32
          %dma_wait3A_443 = tpu.memref_slice %run_scoped3A[%rem3A_291, %dma_wait3A_441, %dma_wait3A_442] : memref<2x1x128xi32, #tpu.memory_space<vmem>> -> memref<1x1x128xi32, #tpu.memory_space<vmem>>
          %dma_wait3A_444 = tpu.memref_squeeze %dma_wait3A_443 : memref<1x1x128xi32, #tpu.memory_space<vmem>> -> memref<1x128xi32, #tpu.memory_space<vmem>>
          %dma_wait3A_445 = arith.constant 0 : i32
          %dma_wait3A_446 = tpu.memref_slice %dma_wait3A_444[%run_scoped3A_298, %dma_wait3A_445] : memref<1x128xi32, #tpu.memory_space<vmem>> -> memref<1x128xi32, #tpu.memory_space<vmem>>
          %dma_wait3A_447 = tpu.memref_squeeze %dma_wait3A_446 : memref<1x128xi32, #tpu.memory_space<vmem>> -> memref<128xi32, #tpu.memory_space<vmem>>
          %dma_wait3A_448 = arith.constant 0 : i32
          %dma_wait3A_449 = arith.constant 0 : i32
          %dma_wait3A_450 = tpu.memref_slice %arg2[%dma_wait3A_448, %dma_wait3A_449] : memref<32768x128xf32, #tpu.memory_space<hbm>> -> memref<32768x128xf32, #tpu.memory_space<hbm>>
          tpu.wait_indirect_dma semaphore(%run_scoped3A_422 : memref<!tpu.dma_semaphore, #tpu.memory_space<semaphore_mem>>) src(%dma_wait3A_450 : memref<32768x128xf32, #tpu.memory_space<hbm>>) dst(%dma_wait3A_440 : memref<128x128xf32, #tpu.memory_space<vmem>>)
          tpu.yield
        }) : () -> ()
        %run_scoped3A_299 = arith.constant 0 : i32
        "tpu.region"() ({
          %run_scoped3A_422 = tpu.sem_alloc : memref<!tpu.dma_semaphore, #tpu.memory_space<semaphore_mem>>
          %dma_start3A_423 = arith.constant 0 : i32
          %dma_start3A_424 = arith.constant 0 : i32
          %dma_start3A_425 = tpu.memref_slice %run_scoped3A_12[%rem3A_297, %dma_start3A_423, %dma_start3A_424] : memref<2x128x128xf32, #tpu.memory_space<vmem>> -> memref<1x128x128xf32, #tpu.memory_space<vmem>>
          %dma_start3A_426 = tpu.memref_squeeze %dma_start3A_425 : memref<1x128x128xf32, #tpu.memory_space<vmem>> -> memref<128x128xf32, #tpu.memory_space<vmem>>
          %dma_start3A_427 = arith.constant 0 : i32
          %dma_start3A_428 = arith.constant 0 : i32
          %dma_start3A_429 = tpu.memref_slice %run_scoped3A_8[%rem3A_293, %dma_start3A_427, %dma_start3A_428] : memref<2x1x128xi32, #tpu.memory_space<vmem>> -> memref<1x1x128xi32, #tpu.memory_space<vmem>>
          %dma_start3A_430 = tpu.memref_squeeze %dma_start3A_429 : memref<1x1x128xi32, #tpu.memory_space<vmem>> -> memref<1x128xi32, #tpu.memory_space<vmem>>
          %dma_start3A_431 = arith.constant 0 : i32
          %dma_start3A_432 = tpu.memref_slice %dma_start3A_430[%run_scoped3A_299, %dma_start3A_431] : memref<1x128xi32, #tpu.memory_space<vmem>> -> memref<1x128xi32, #tpu.memory_space<vmem>>
          %dma_start3A_433 = tpu.memref_squeeze %dma_start3A_432 : memref<1x128xi32, #tpu.memory_space<vmem>> -> memref<128xi32, #tpu.memory_space<vmem>>
          %dma_start3A_434 = arith.constant 0 : i32
          %dma_start3A_435 = arith.constant 0 : i32
          %dma_start3A_436 = tpu.memref_slice %arg4[%dma_start3A_434, %dma_start3A_435] : memref<32768x128xf32, #tpu.memory_space<hbm>> -> memref<32768x128xf32, #tpu.memory_space<hbm>>
          tpu.enqueue_indirect_dma source(%dma_start3A_436 : memref<32768x128xf32, #tpu.memory_space<hbm>>) target(%dma_start3A_426 : memref<128x128xf32, #tpu.memory_space<vmem>>) offsets(%dma_start3A_433 : memref<128xi32, #tpu.memory_space<vmem>>) semaphore(%run_scoped3A_422 : memref<!tpu.dma_semaphore, #tpu.memory_space<semaphore_mem>>)
          %dma_wait3A_437 = arith.constant 0 : i32
          %dma_wait3A_438 = arith.constant 0 : i32
          %dma_wait3A_439 = tpu.memref_slice %run_scoped3A_12[%rem3A_297, %dma_wait3A_437, %dma_wait3A_438] : memref<2x128x128xf32, #tpu.memory_space<vmem>> -> memref<1x128x128xf32, #tpu.memory_space<vmem>>
          %dma_wait3A_440 = tpu.memref_squeeze %dma_wait3A_439 : memref<1x128x128xf32, #tpu.memory_space<vmem>> -> memref<128x128xf32, #tpu.memory_space<vmem>>
          %dma_wait3A_441 = arith.constant 0 : i32
          %dma_wait3A_442 = arith.constant 0 : i32
          %dma_wait3A_443 = tpu.memref_slice %run_scoped3A_8[%rem3A_293, %dma_wait3A_441, %dma_wait3A_442] : memref<2x1x128xi32, #tpu.memory_space<vmem>> -> memref<1x1x128xi32, #tpu.memory_space<vmem>>
          %dma_wait3A_444 = tpu.memref_squeeze %dma_wait3A_443 : memref<1x1x128xi32, #tpu.memory_space<vmem>> -> memref<1x128xi32, #tpu.memory_space<vmem>>
          %dma_wait3A_445 = arith.constant 0 : i32
          %dma_wait3A_446 = tpu.memref_slice %dma_wait3A_444[%run_scoped3A_299, %dma_wait3A_445] : memref<1x128xi32, #tpu.memory_space<vmem>> -> memref<1x128xi32, #tpu.memory_space<vmem>>
          %dma_wait3A_447 = tpu.memref_squeeze %dma_wait3A_446 : memref<1x128xi32, #tpu.memory_space<vmem>> -> memref<128xi32, #tpu.memory_space<vmem>>
          %dma_wait3A_448 = arith.constant 0 : i32
          %dma_wait3A_449 = arith.constant 0 : i32
          %dma_wait3A_450 = tpu.memref_slice %arg4[%dma_wait3A_448, %dma_wait3A_449] : memref<32768x128xf32, #tpu.memory_space<hbm>> -> memref<32768x128xf32, #tpu.memory_space<hbm>>
          tpu.wait_indirect_dma semaphore(%run_scoped3A_422 : memref<!tpu.dma_semaphore, #tpu.memory_space<semaphore_mem>>) src(%dma_wait3A_450 : memref<32768x128xf32, #tpu.memory_space<hbm>>) dst(%dma_wait3A_440 : memref<128x128xf32, #tpu.memory_space<vmem>>)
          tpu.yield
        }) : () -> ()
        "tpu.trace_stop"() : () -> ()
        %ne3A_300 = arith.cmpi ne, %add3A_185, %add3A_203 : i32
        %or3A_301 = arith.constant false
        %or3A_302 = arith.ori %or3A_301, %ne3A_300 : i1
        %or3A_303 = arith.ori %or3A_302, %eq3A_184 : i1
        %convert_element_type3A_304 = arith.extui %or3A_303 : i1 to i32
        %cond3A_305 = arith.constant 0 : i32
        %cond3A_306 = arith.cmpi ne, %convert_element_type3A_304, %cond3A_305 : i32
        scf.if %cond3A_306 {
        } else {
        }
        %and3A_307 = arith.constant false
        %and3A_308 = arith.andi %or3A_303, %and3A_307 : i1
        %ne3A_309 = arith.cmpi ne, %add3A_185, %add3A_203 : i32
        %or3A_310 = arith.constant false
        %or3A_311 = arith.ori %or3A_310, %ne3A_309 : i1
        %or3A_312 = arith.ori %or3A_311, %eq3A_184 : i1
        %convert_element_type3A_313 = arith.extui %or3A_312 : i1 to i32
        %cond3A_314 = arith.constant 0 : i32
        %cond3A_315 = arith.cmpi ne, %convert_element_type3A_313, %cond3A_314 : i32
        scf.if %cond3A_315 {
        } else {
        }
        %and3A_316 = arith.constant false
        %and3A_317 = arith.andi %or3A_312, %and3A_316 : i1
        %ne3A_318 = arith.cmpi ne, %add3A_185, %add3A_203 : i32
        %or3A_319 = arith.constant false
        %or3A_320 = arith.ori %or3A_319, %ne3A_318 : i1
        %or3A_321 = arith.constant false
        %or3A_322 = arith.ori %or3A_320, %or3A_321 : i1
        %or3A_323 = arith.ori %or3A_322, %eq3A_184 : i1
        %convert_element_type3A_324 = arith.extui %or3A_323 : i1 to i32
        %cond3A_325 = arith.constant 0 : i32
        %cond3A_326 = arith.cmpi ne, %convert_element_type3A_324, %cond3A_325 : i32
        scf.if %cond3A_326 {
          "tpu.trace_start"() <{level = 10 : i32, message = "ep_copy_out"}> : () -> ()
          %rem3A_422 = arith.constant 2 : i32
          %rem3A_423 = arith.remui %scan3A_176, %rem3A_422 : i32
          %mul3A_424 = arith.constant 128 : i32
          %mul3A_425 = arith.muli %mul3A_424, %add3A_185 : i32
          %dma_start3A_426 = arith.constant 0 : i32
          %dma_start3A_427 = arith.constant 0 : i32
          %dma_start3A_428 = tpu.memref_slice %run_scoped3A_10[%rem3A_423, %dma_start3A_426, %dma_start3A_427] : memref<2x128x128xf32, #tpu.memory_space<vmem>> -> memref<1x128x128xf32, #tpu.memory_space<vmem>>
          %dma_start3A_429 = tpu.memref_squeeze %dma_start3A_428 : memref<1x128x128xf32, #tpu.memory_space<vmem>> -> memref<128x128xf32, #tpu.memory_space<vmem>>
          %dma_start3A_430 = arith.constant 0 : i32
          %dma_start3A_431 = tpu.memref_slice %arg6[%mul3A_425, %dma_start3A_430] : memref<32768x128xf32, #tpu.memory_space<hbm>> -> memref<128x128xf32, #tpu.memory_space<hbm>>
          %dma_start3A_432 = tpu.memref_slice %run_scoped3A_11[%rem3A_423] : memref<2x!tpu.dma_semaphore, #tpu.memory_space<semaphore_mem>> -> memref<1x!tpu.dma_semaphore, #tpu.memory_space<semaphore_mem>>
          %dma_start3A_433 = tpu.memref_squeeze %dma_start3A_432 : memref<1x!tpu.dma_semaphore, #tpu.memory_space<semaphore_mem>> -> memref<!tpu.dma_semaphore, #tpu.memory_space<semaphore_mem>>
          %dma_start3A_434 = arith.constant 0 : i32
          %dma_start3A_435 = tpu.memref_slice %arg6[%mul3A_425, %dma_start3A_434] : memref<32768x128xf32, #tpu.memory_space<hbm>> -> memref<128x128xf32, #tpu.memory_space<hbm>>
          %dma_start3A_436 = arith.constant 0 : i32
          %dma_start3A_437 = arith.constant 0 : i32
          %dma_start3A_438 = tpu.memref_slice %run_scoped3A_10[%rem3A_423, %dma_start3A_436, %dma_start3A_437] : memref<2x128x128xf32, #tpu.memory_space<vmem>> -> memref<1x128x128xf32, #tpu.memory_space<vmem>>
          %dma_start3A_439 = tpu.memref_squeeze %dma_start3A_438 : memref<1x128x128xf32, #tpu.memory_space<vmem>> -> memref<128x128xf32, #tpu.memory_space<vmem>>
          tpu.enqueue_dma source(%dma_start3A_439 : memref<128x128xf32, #tpu.memory_space<vmem>>) target(%dma_start3A_435 : memref<128x128xf32, #tpu.memory_space<hbm>>) target_semaphore(%dma_start3A_433 : memref<!tpu.dma_semaphore, #tpu.memory_space<semaphore_mem>>)
          "tpu.trace_stop"() : () -> ()
        } else {
        }
        %and3A_327 = arith.constant true
        %and3A_328 = arith.andi %or3A_323, %and3A_327 : i1
        %add3A_329 = arith.constant 1 : i32
        %add3A_330 = arith.addi %scan3A_176, %add3A_329 : i32
        %select_n3A_331 = arith.select %and3A_328, %add3A_330, %scan3A_176 : i32
        %ne3A_332 = arith.cmpi ne, %add3A_185, %add3A_203 : i32
        %or3A_333 = arith.constant false
        %or3A_334 = arith.ori %or3A_333, %ne3A_332 : i1
        %or3A_335 = arith.constant false
        %or3A_336 = arith.ori %or3A_334, %or3A_335 : i1
        %or3A_337 = arith.ori %or3A_336, %eq3A_184 : i1
        %convert_element_type3A_338 = arith.extui %or3A_337 : i1 to i32
        %cond3A_339 = arith.constant 0 : i32
        %cond3A_340 = arith.cmpi ne, %convert_element_type3A_338, %cond3A_339 : i32
        scf.if %cond3A_340 {
          "tpu.trace_start"() <{level = 10 : i32, message = "ep_copy_out"}> : () -> ()
          %rem3A_422 = arith.constant 2 : i32
          %rem3A_423 = arith.remui %scan3A_178, %rem3A_422 : i32
          %mul3A_424 = arith.constant 128 : i32
          %mul3A_425 = arith.muli %mul3A_424, %add3A_185 : i32
          %dma_start3A_426 = arith.constant 0 : i32
          %dma_start3A_427 = arith.constant 0 : i32
          %dma_start3A_428 = tpu.memref_slice %run_scoped3A_12[%rem3A_423, %dma_start3A_426, %dma_start3A_427] : memref<2x128x128xf32, #tpu.memory_space<vmem>> -> memref<1x128x128xf32, #tpu.memory_space<vmem>>
          %dma_start3A_429 = tpu.memref_squeeze %dma_start3A_428 : memref<1x128x128xf32, #tpu.memory_space<vmem>> -> memref<128x128xf32, #tpu.memory_space<vmem>>
          %dma_start3A_430 = arith.constant 0 : i32
          %dma_start3A_431 = tpu.memref_slice %arg7[%mul3A_425, %dma_start3A_430] : memref<32768x128xf32, #tpu.memory_space<hbm>> -> memref<128x128xf32, #tpu.memory_space<hbm>>
          %dma_start3A_432 = tpu.memref_slice %run_scoped3A_13[%rem3A_423] : memref<2x!tpu.dma_semaphore, #tpu.memory_space<semaphore_mem>> -> memref<1x!tpu.dma_semaphore, #tpu.memory_space<semaphore_mem>>
          %dma_start3A_433 = tpu.memref_squeeze %dma_start3A_432 : memref<1x!tpu.dma_semaphore, #tpu.memory_space<semaphore_mem>> -> memref<!tpu.dma_semaphore, #tpu.memory_space<semaphore_mem>>
          %dma_start3A_434 = arith.constant 0 : i32
          %dma_start3A_435 = tpu.memref_slice %arg7[%mul3A_425, %dma_start3A_434] : memref<32768x128xf32, #tpu.memory_space<hbm>> -> memref<128x128xf32, #tpu.memory_space<hbm>>
          %dma_start3A_436 = arith.constant 0 : i32
          %dma_start3A_437 = arith.constant 0 : i32
          %dma_start3A_438 = tpu.memref_slice %run_scoped3A_12[%rem3A_423, %dma_start3A_436, %dma_start3A_437] : memref<2x128x128xf32, #tpu.memory_space<vmem>> -> memref<1x128x128xf32, #tpu.memory_space<vmem>>
          %dma_start3A_439 = tpu.memref_squeeze %dma_start3A_438 : memref<1x128x128xf32, #tpu.memory_space<vmem>> -> memref<128x128xf32, #tpu.memory_space<vmem>>
          tpu.enqueue_dma source(%dma_start3A_439 : memref<128x128xf32, #tpu.memory_space<vmem>>) target(%dma_start3A_435 : memref<128x128xf32, #tpu.memory_space<hbm>>) target_semaphore(%dma_start3A_433 : memref<!tpu.dma_semaphore, #tpu.memory_space<semaphore_mem>>)
          "tpu.trace_stop"() : () -> ()
        } else {
        }
        %and3A_341 = arith.constant true
        %and3A_342 = arith.andi %or3A_337, %and3A_341 : i1
        %add3A_343 = arith.constant 1 : i32
        %add3A_344 = arith.addi %scan3A_178, %add3A_343 : i32
        %select_n3A_345 = arith.select %and3A_342, %add3A_344, %scan3A_178 : i32
        %ne3A_346 = arith.cmpi ne, %add3A_185, %add3A_194 : i32
        %or3A_347 = arith.constant false
        %or3A_348 = arith.ori %or3A_347, %ne3A_346 : i1
        %not3A_349 = arith.constant true
        %not3A_350 = arith.xori %eq3A_182, %not3A_349 : i1
        %and3A_351 = arith.andi %or3A_348, %not3A_350 : i1
        %convert_element_type3A_352 = arith.extui %and3A_351 : i1 to i32
        %cond3A_353 = arith.constant 0 : i32
        %cond3A_354 = arith.cmpi ne, %convert_element_type3A_352, %cond3A_353 : i32
        scf.if %cond3A_354 {
        } else {
        }
        %and3A_355 = arith.constant false
        %and3A_356 = arith.andi %and3A_351, %and3A_355 : i1
        %ne3A_357 = arith.cmpi ne, %add3A_185, %add3A_194 : i32
        %or3A_358 = arith.constant false
        %or3A_359 = arith.ori %or3A_358, %ne3A_357 : i1
        %not3A_360 = arith.constant true
        %not3A_361 = arith.xori %eq3A_182, %not3A_360 : i1
        %and3A_362 = arith.andi %or3A_359, %not3A_361 : i1
        %convert_element_type3A_363 = arith.extui %and3A_362 : i1 to i32
        %cond3A_364 = arith.constant 0 : i32
        %cond3A_365 = arith.cmpi ne, %convert_element_type3A_363, %cond3A_364 : i32
        scf.if %cond3A_365 {
        } else {
        }
        %and3A_366 = arith.constant false
        %and3A_367 = arith.andi %and3A_362, %and3A_366 : i1
        %ne3A_368 = arith.cmpi ne, %add3A_185, %add3A_194 : i32
        %or3A_369 = arith.constant false
        %or3A_370 = arith.ori %or3A_369, %ne3A_368 : i1
        %or3A_371 = arith.constant false
        %or3A_372 = arith.ori %or3A_370, %or3A_371 : i1
        %not3A_373 = arith.constant true
        %not3A_374 = arith.xori %eq3A_182, %not3A_373 : i1
        %and3A_375 = arith.andi %or3A_372, %not3A_374 : i1
        %convert_element_type3A_376 = arith.extui %and3A_375 : i1 to i32
        %cond3A_377 = arith.constant 0 : i32
        %cond3A_378 = arith.cmpi ne, %convert_element_type3A_376, %cond3A_377 : i32
        scf.if %cond3A_378 {
          "tpu.trace_start"() <{level = 10 : i32, message = "ep_wait_out"}> : () -> ()
          %rem3A_422 = arith.constant 2 : i32
          %rem3A_423 = arith.remui %scan3A_177, %rem3A_422 : i32
          %mul3A_424 = arith.constant 128 : i32
          %mul3A_425 = arith.muli %mul3A_424, %add3A_194 : i32
          %dma_wait3A_426 = arith.constant 0 : i32
          %dma_wait3A_427 = arith.constant 0 : i32
          %dma_wait3A_428 = tpu.memref_slice %run_scoped3A_10[%rem3A_423, %dma_wait3A_426, %dma_wait3A_427] : memref<2x128x128xf32, #tpu.memory_space<vmem>> -> memref<1x128x128xf32, #tpu.memory_space<vmem>>
          %dma_wait3A_429 = tpu.memref_squeeze %dma_wait3A_428 : memref<1x128x128xf32, #tpu.memory_space<vmem>> -> memref<128x128xf32, #tpu.memory_space<vmem>>
          %dma_wait3A_430 = arith.constant 0 : i32
          %dma_wait3A_431 = tpu.memref_slice %arg6[%mul3A_425, %dma_wait3A_430] : memref<32768x128xf32, #tpu.memory_space<hbm>> -> memref<128x128xf32, #tpu.memory_space<hbm>>
          %dma_wait3A_432 = tpu.memref_slice %run_scoped3A_11[%rem3A_423] : memref<2x!tpu.dma_semaphore, #tpu.memory_space<semaphore_mem>> -> memref<1x!tpu.dma_semaphore, #tpu.memory_space<semaphore_mem>>
          %dma_wait3A_433 = tpu.memref_squeeze %dma_wait3A_432 : memref<1x!tpu.dma_semaphore, #tpu.memory_space<semaphore_mem>> -> memref<!tpu.dma_semaphore, #tpu.memory_space<semaphore_mem>>
          %dma_wait3A_434 = arith.constant 0 : i32
          %dma_wait3A_435 = tpu.memref_slice %arg6[%mul3A_425, %dma_wait3A_434] : memref<32768x128xf32, #tpu.memory_space<hbm>> -> memref<128x128xf32, #tpu.memory_space<hbm>>
          %dma_wait3A_436 = arith.constant 0 : i32
          %dma_wait3A_437 = arith.constant 0 : i32
          %dma_wait3A_438 = tpu.memref_slice %run_scoped3A_10[%rem3A_423, %dma_wait3A_436, %dma_wait3A_437] : memref<2x128x128xf32, #tpu.memory_space<vmem>> -> memref<1x128x128xf32, #tpu.memory_space<vmem>>
          %dma_wait3A_439 = tpu.memref_squeeze %dma_wait3A_438 : memref<1x128x128xf32, #tpu.memory_space<vmem>> -> memref<128x128xf32, #tpu.memory_space<vmem>>
          tpu.wait_dma2 semaphore(%dma_wait3A_433 : memref<!tpu.dma_semaphore, #tpu.memory_space<semaphore_mem>>) src(%dma_wait3A_439 : memref<128x128xf32, #tpu.memory_space<vmem>>) dst(%dma_wait3A_435 : memref<128x128xf32, #tpu.memory_space<hbm>>)
          "tpu.trace_stop"() : () -> ()
        } else {
        }
        %and3A_379 = arith.constant true
        %and3A_380 = arith.andi %and3A_375, %and3A_379 : i1
        %add3A_381 = arith.constant 1 : i32
        %add3A_382 = arith.addi %scan3A_177, %add3A_381 : i32
        %select_n3A_383 = arith.select %and3A_380, %add3A_382, %scan3A_177 : i32
        %ne3A_384 = arith.cmpi ne, %add3A_185, %add3A_194 : i32
        %or3A_385 = arith.constant false
        %or3A_386 = arith.ori %or3A_385, %ne3A_384 : i1
        %or3A_387 = arith.constant false
        %or3A_388 = arith.ori %or3A_386, %or3A_387 : i1
        %not3A_389 = arith.constant true
        %not3A_390 = arith.xori %eq3A_182, %not3A_389 : i1
        %and3A_391 = arith.andi %or3A_388, %not3A_390 : i1
        %convert_element_type3A_392 = arith.extui %and3A_391 : i1 to i32
        %cond3A_393 = arith.constant 0 : i32
        %cond3A_394 = arith.cmpi ne, %convert_element_type3A_392, %cond3A_393 : i32
        scf.if %cond3A_394 {
          "tpu.trace_start"() <{level = 10 : i32, message = "ep_wait_out"}> : () -> ()
          %rem3A_422 = arith.constant 2 : i32
          %rem3A_423 = arith.remui %scan3A_179, %rem3A_422 : i32
          %mul3A_424 = arith.constant 128 : i32
          %mul3A_425 = arith.muli %mul3A_424, %add3A_194 : i32
          %dma_wait3A_426 = arith.constant 0 : i32
          %dma_wait3A_427 = arith.constant 0 : i32
          %dma_wait3A_428 = tpu.memref_slice %run_scoped3A_12[%rem3A_423, %dma_wait3A_426, %dma_wait3A_427] : memref<2x128x128xf32, #tpu.memory_space<vmem>> -> memref<1x128x128xf32, #tpu.memory_space<vmem>>
          %dma_wait3A_429 = tpu.memref_squeeze %dma_wait3A_428 : memref<1x128x128xf32, #tpu.memory_space<vmem>> -> memref<128x128xf32, #tpu.memory_space<vmem>>
          %dma_wait3A_430 = arith.constant 0 : i32
          %dma_wait3A_431 = tpu.memref_slice %arg7[%mul3A_425, %dma_wait3A_430] : memref<32768x128xf32, #tpu.memory_space<hbm>> -> memref<128x128xf32, #tpu.memory_space<hbm>>
          %dma_wait3A_432 = tpu.memref_slice %run_scoped3A_13[%rem3A_423] : memref<2x!tpu.dma_semaphore, #tpu.memory_space<semaphore_mem>> -> memref<1x!tpu.dma_semaphore, #tpu.memory_space<semaphore_mem>>
          %dma_wait3A_433 = tpu.memref_squeeze %dma_wait3A_432 : memref<1x!tpu.dma_semaphore, #tpu.memory_space<semaphore_mem>> -> memref<!tpu.dma_semaphore, #tpu.memory_space<semaphore_mem>>
          %dma_wait3A_434 = arith.constant 0 : i32
          %dma_wait3A_435 = tpu.memref_slice %arg7[%mul3A_425, %dma_wait3A_434] : memref<32768x128xf32, #tpu.memory_space<hbm>> -> memref<128x128xf32, #tpu.memory_space<hbm>>
          %dma_wait3A_436 = arith.constant 0 : i32
          %dma_wait3A_437 = arith.constant 0 : i32
          %dma_wait3A_438 = tpu.memref_slice %run_scoped3A_12[%rem3A_423, %dma_wait3A_436, %dma_wait3A_437] : memref<2x128x128xf32, #tpu.memory_space<vmem>> -> memref<1x128x128xf32, #tpu.memory_space<vmem>>
          %dma_wait3A_439 = tpu.memref_squeeze %dma_wait3A_438 : memref<1x128x128xf32, #tpu.memory_space<vmem>> -> memref<128x128xf32, #tpu.memory_space<vmem>>
          tpu.wait_dma2 semaphore(%dma_wait3A_433 : memref<!tpu.dma_semaphore, #tpu.memory_space<semaphore_mem>>) src(%dma_wait3A_439 : memref<128x128xf32, #tpu.memory_space<vmem>>) dst(%dma_wait3A_435 : memref<128x128xf32, #tpu.memory_space<hbm>>)
          "tpu.trace_stop"() : () -> ()
        } else {
        }
        %and3A_395 = arith.constant true
        %and3A_396 = arith.andi %and3A_391, %and3A_395 : i1
        %add3A_397 = arith.constant 1 : i32
        %add3A_398 = arith.addi %scan3A_179, %add3A_397 : i32
        %select_n3A_399 = arith.select %and3A_396, %add3A_398, %scan3A_179 : i32
        %ne3A_400 = arith.cmpi ne, %add3A_185, %add3A_203 : i32
        %or3A_401 = arith.constant false
        %or3A_402 = arith.ori %or3A_401, %ne3A_400 : i1
        %or3A_403 = arith.ori %or3A_402, %eq3A_184 : i1
        %add3A_404 = arith.constant 1 : i32
        %add3A_405 = arith.addi %scan3A_173, %add3A_404 : i32
        %select_n3A_406 = arith.select %or3A_403, %add3A_405, %scan3A_173 : i32
        %ne3A_407 = arith.cmpi ne, %add3A_185, %add3A_203 : i32
        %or3A_408 = arith.constant false
        %or3A_409 = arith.ori %or3A_408, %ne3A_407 : i1
        %or3A_410 = arith.ori %or3A_409, %eq3A_184 : i1
        %add3A_411 = arith.constant 1 : i32
        %add3A_412 = arith.addi %scan3A_175, %add3A_411 : i32
        %select_n3A_413 = arith.select %or3A_410, %add3A_412, %scan3A_175 : i32
        %add3A_414 = arith.constant 1 : i32
        %add3A_415 = arith.addi %scan3A_180, %add3A_414 : i32
        %select_n3A_416 = arith.constant true
        %select_n3A_417 = arith.select %select_n3A_416, %add3A_415, %scan3A_180 : i32
        %eq3A_418 = arith.constant 8 : i32
        %eq3A_419 = arith.cmpi eq, %select_n3A_417, %eq3A_418 : i32
        %select_n3A_420 = arith.constant 0 : i32
        %select_n3A_421 = arith.select %eq3A_419, %select_n3A_420, %select_n3A_417 : i32
        scf.yield %select_n3A_221, %select_n3A_406, %select_n3A_237, %select_n3A_413, %select_n3A_331, %select_n3A_383, %select_n3A_345, %select_n3A_399, %select_n3A_421 : i32, i32, i32, i32, i32, i32, i32, i32, i32
      }
      %scan3A_100 = arith.constant 8 : i32
      %sub3A = arith.constant 1 : i32
      %sub3A_101 = arith.subi %scan3A_99#8, %sub3A : i32
      %select_n3A_102 = arith.constant true
      %select_n3A_103 = arith.select %select_n3A_102, %sub3A_101, %scan3A_99#8 : i32
      %eq3A_104 = arith.constant -1 : i32
      %eq3A_105 = arith.cmpi eq, %select_n3A_103, %eq3A_104 : i32
      %select_n3A_106 = arith.constant 7 : i32
      %select_n3A_107 = arith.select %eq3A_105, %select_n3A_106, %select_n3A_103 : i32
      %add3A_108 = arith.addi %select_n3A_107, %mul3A_6 : i32
      %sub3A_109 = arith.constant 1 : i32
      %sub3A_110 = arith.subi %select_n3A_107, %sub3A_109 : i32
      %select_n3A_111 = arith.constant true
      %select_n3A_112 = arith.select %select_n3A_111, %sub3A_110, %select_n3A_107 : i32
      %eq3A_113 = arith.constant -1 : i32
      %eq3A_114 = arith.cmpi eq, %select_n3A_112, %eq3A_113 : i32
      %select_n3A_115 = arith.constant 7 : i32
      %select_n3A_116 = arith.select %eq3A_114, %select_n3A_115, %select_n3A_112 : i32
      %add3A_117 = arith.addi %select_n3A_116, %mul3A_6 : i32
      %add3A_118 = arith.constant 1 : i32
      %add3A_119 = arith.addi %select_n3A_107, %add3A_118 : i32
      %select_n3A_120 = arith.constant true
      %select_n3A_121 = arith.select %select_n3A_120, %add3A_119, %select_n3A_107 : i32
      %eq3A_122 = arith.constant 8 : i32
      %eq3A_123 = arith.cmpi eq, %select_n3A_121, %eq3A_122 : i32
      %select_n3A_124 = arith.constant 0 : i32
      %select_n3A_125 = arith.select %eq3A_123, %select_n3A_124, %select_n3A_121 : i32
      %add3A_126 = arith.addi %select_n3A_125, %mul3A_6 : i32
      %add3A_127 = arith.constant 1 : i32
      %add3A_128 = arith.addi %select_n3A_125, %add3A_127 : i32
      %select_n3A_129 = arith.constant true
      %select_n3A_130 = arith.select %select_n3A_129, %add3A_128, %select_n3A_125 : i32
      %eq3A_131 = arith.constant 8 : i32
      %eq3A_132 = arith.cmpi eq, %select_n3A_130, %eq3A_131 : i32
      %select_n3A_133 = arith.constant 0 : i32
      %select_n3A_134 = arith.select %eq3A_132, %select_n3A_133, %select_n3A_130 : i32
      %add3A_135 = arith.addi %select_n3A_134, %mul3A_6 : i32
      "tpu.trace_start"() <{level = 10 : i32, message = "ep_finalize"}> : () -> ()
      %rem3A_136 = arith.constant 2 : i32
      %rem3A_137 = arith.remui %scan3A_99#5, %rem3A_136 : i32
      %mul3A_138 = arith.constant 128 : i32
      %mul3A_139 = arith.muli %mul3A_138, %add3A_108 : i32
      %dma_wait3A = arith.constant 0 : i32
      %dma_wait3A_140 = arith.constant 0 : i32
      %dma_wait3A_141 = tpu.memref_slice %run_scoped3A_10[%rem3A_137, %dma_wait3A, %dma_wait3A_140] : memref<2x128x128xf32, #tpu.memory_space<vmem>> -> memref<1x128x128xf32, #tpu.memory_space<vmem>>
      %dma_wait3A_142 = tpu.memref_squeeze %dma_wait3A_141 : memref<1x128x128xf32, #tpu.memory_space<vmem>> -> memref<128x128xf32, #tpu.memory_space<vmem>>
      %dma_wait3A_143 = arith.constant 0 : i32
      %dma_wait3A_144 = tpu.memref_slice %arg6[%mul3A_139, %dma_wait3A_143] : memref<32768x128xf32, #tpu.memory_space<hbm>> -> memref<128x128xf32, #tpu.memory_space<hbm>>
      %dma_wait3A_145 = tpu.memref_slice %run_scoped3A_11[%rem3A_137] : memref<2x!tpu.dma_semaphore, #tpu.memory_space<semaphore_mem>> -> memref<1x!tpu.dma_semaphore, #tpu.memory_space<semaphore_mem>>
      %dma_wait3A_146 = tpu.memref_squeeze %dma_wait3A_145 : memref<1x!tpu.dma_semaphore, #tpu.memory_space<semaphore_mem>> -> memref<!tpu.dma_semaphore, #tpu.memory_space<semaphore_mem>>
      %dma_wait3A_147 = arith.constant 0 : i32
      %dma_wait3A_148 = tpu.memref_slice %arg6[%mul3A_139, %dma_wait3A_147] : memref<32768x128xf32, #tpu.memory_space<hbm>> -> memref<128x128xf32, #tpu.memory_space<hbm>>
      %dma_wait3A_149 = arith.constant 0 : i32
      %dma_wait3A_150 = arith.constant 0 : i32
      %dma_wait3A_151 = tpu.memref_slice %run_scoped3A_10[%rem3A_137, %dma_wait3A_149, %dma_wait3A_150] : memref<2x128x128xf32, #tpu.memory_space<vmem>> -> memref<1x128x128xf32, #tpu.memory_space<vmem>>
      %dma_wait3A_152 = tpu.memref_squeeze %dma_wait3A_151 : memref<1x128x128xf32, #tpu.memory_space<vmem>> -> memref<128x128xf32, #tpu.memory_space<vmem>>
      tpu.wait_dma2 semaphore(%dma_wait3A_146 : memref<!tpu.dma_semaphore, #tpu.memory_space<semaphore_mem>>) src(%dma_wait3A_152 : memref<128x128xf32, #tpu.memory_space<vmem>>) dst(%dma_wait3A_148 : memref<128x128xf32, #tpu.memory_space<hbm>>)
      %rem3A_153 = arith.constant 2 : i32
      %rem3A_154 = arith.remui %scan3A_99#7, %rem3A_153 : i32
      %mul3A_155 = arith.constant 128 : i32
      %mul3A_156 = arith.muli %mul3A_155, %add3A_108 : i32
      %dma_wait3A_157 = arith.constant 0 : i32
      %dma_wait3A_158 = arith.constant 0 : i32
      %dma_wait3A_159 = tpu.memref_slice %run_scoped3A_12[%rem3A_154, %dma_wait3A_157, %dma_wait3A_158] : memref<2x128x128xf32, #tpu.memory_space<vmem>> -> memref<1x128x128xf32, #tpu.memory_space<vmem>>
      %dma_wait3A_160 = tpu.memref_squeeze %dma_wait3A_159 : memref<1x128x128xf32, #tpu.memory_space<vmem>> -> memref<128x128xf32, #tpu.memory_space<vmem>>
      %dma_wait3A_161 = arith.constant 0 : i32
      %dma_wait3A_162 = tpu.memref_slice %arg7[%mul3A_156, %dma_wait3A_161] : memref<32768x128xf32, #tpu.memory_space<hbm>> -> memref<128x128xf32, #tpu.memory_space<hbm>>
      %dma_wait3A_163 = tpu.memref_slice %run_scoped3A_13[%rem3A_154] : memref<2x!tpu.dma_semaphore, #tpu.memory_space<semaphore_mem>> -> memref<1x!tpu.dma_semaphore, #tpu.memory_space<semaphore_mem>>
      %dma_wait3A_164 = tpu.memref_squeeze %dma_wait3A_163 : memref<1x!tpu.dma_semaphore, #tpu.memory_space<semaphore_mem>> -> memref<!tpu.dma_semaphore, #tpu.memory_space<semaphore_mem>>
      %dma_wait3A_165 = arith.constant 0 : i32
      %dma_wait3A_166 = tpu.memref_slice %arg7[%mul3A_156, %dma_wait3A_165] : memref<32768x128xf32, #tpu.memory_space<hbm>> -> memref<128x128xf32, #tpu.memory_space<hbm>>
      %dma_wait3A_167 = arith.constant 0 : i32
      %dma_wait3A_168 = arith.constant 0 : i32
      %dma_wait3A_169 = tpu.memref_slice %run_scoped3A_12[%rem3A_154, %dma_wait3A_167, %dma_wait3A_168] : memref<2x128x128xf32, #tpu.memory_space<vmem>> -> memref<1x128x128xf32, #tpu.memory_space<vmem>>
      %dma_wait3A_170 = tpu.memref_squeeze %dma_wait3A_169 : memref<1x128x128xf32, #tpu.memory_space<vmem>> -> memref<128x128xf32, #tpu.memory_space<vmem>>
      tpu.wait_dma2 semaphore(%dma_wait3A_164 : memref<!tpu.dma_semaphore, #tpu.memory_space<semaphore_mem>>) src(%dma_wait3A_170 : memref<128x128xf32, #tpu.memory_space<vmem>>) dst(%dma_wait3A_166 : memref<128x128xf32, #tpu.memory_space<hbm>>)
      "tpu.trace_stop"() : () -> ()
      tpu.yield
    }) : () -> ()
    return
  }
}

module attributes {stable_mosaic.version = 14 : i64} {
  func.func @_search_kernel(%arg0: i32, %arg1: i32, %arg2: memref<1x2048x3xf32, #tpu.memory_space<vmem>>, %arg3: memref<1x3x4096xf32, #tpu.memory_space<vmem>>, %arg4: memref<1x2048x3xbf16, #tpu.memory_space<vmem>>, %arg5: memref<1x3x4096xbf16, #tpu.memory_space<vmem>>, %arg6: memref<1x2048x1xi32, #tpu.memory_space<vmem>>, %arg7: memref<1x1x4096xi32, #tpu.memory_space<vmem>>, %arg8: memref<1x4096xf32, #tpu.memory_space<vmem>>, %arg9: memref<1x4096xi32, #tpu.memory_space<vmem>>) attributes {dimension_semantics = [#tpu.dimension_semantics<parallel>, #tpu.dimension_semantics<arbitrary>], iteration_bounds = array<i64: 8, 2>, scalar_prefetch = 0 : i64, scratch_operands = 2 : i64, tpu.core_type = #tpu.core_type<tc>, window_params = [{transform_indices = @transform_0, window_bounds = array<i64: 1, 2048, 3>}, {transform_indices = @transform_1, window_bounds = array<i64: 1, 3, 4096>}, {transform_indices = @transform_2, window_bounds = array<i64: 1, 2048, 3>}, {transform_indices = @transform_3, window_bounds = array<i64: 1, 3, 4096>}, {transform_indices = @transform_4, window_bounds = array<i64: 1, 2048, 1>}, {transform_indices = @transform_5, window_bounds = array<i64: 1, 1, 4096>}]} {
    %get3A = arith.constant 0 : index
    %get3A_0 = arith.constant 0 : index
    %get3A_1 = arith.constant 0 : index
    %get3A_2 = vector.load %arg2[%get3A, %get3A_0, %get3A_1] : memref<1x2048x3xf32, #tpu.memory_space<vmem>>, vector<1x2048x3xf32>
    %get3A_3 = vector.shape_cast %get3A_2 : vector<1x2048x3xf32> to vector<2048x3xf32>
    %get3A_4 = arith.constant 0 : index
    %get3A_5 = arith.constant 0 : index
    %get3A_6 = arith.constant 0 : index
    %get3A_7 = vector.load %arg3[%get3A_4, %get3A_5, %get3A_6] : memref<1x3x4096xf32, #tpu.memory_space<vmem>>, vector<1x3x4096xf32>
    %get3A_8 = vector.shape_cast %get3A_7 : vector<1x3x4096xf32> to vector<3x4096xf32>
    %slice3A = vector.extract_strided_slice %get3A_3 {offsets = [0, 0], sizes = [2048, 1], strides = [1, 1]} : vector<2048x3xf32> to vector<2048x1xf32>
    %slice3A_9 = vector.extract_strided_slice %get3A_3 {offsets = [0, 1], sizes = [2048, 1], strides = [1, 1]} : vector<2048x3xf32> to vector<2048x1xf32>
    %slice3A_10 = vector.extract_strided_slice %get3A_3 {offsets = [0, 2], sizes = [2048, 1], strides = [1, 1]} : vector<2048x3xf32> to vector<2048x1xf32>
    %slice3A_11 = vector.extract_strided_slice %get3A_8 {offsets = [0, 0], sizes = [1, 4096], strides = [1, 1]} : vector<3x4096xf32> to vector<1x4096xf32>
    %slice3A_12 = vector.extract_strided_slice %get3A_8 {offsets = [1, 0], sizes = [1, 4096], strides = [1, 1]} : vector<3x4096xf32> to vector<1x4096xf32>
    %slice3A_13 = vector.extract_strided_slice %get3A_8 {offsets = [2, 0], sizes = [1, 4096], strides = [1, 1]} : vector<3x4096xf32> to vector<1x4096xf32>
    %mul3A = arith.mulf %slice3A, %slice3A : vector<2048x1xf32>
    %mul3A_14 = arith.mulf %slice3A_9, %slice3A_9 : vector<2048x1xf32>
    %add3A = arith.addf %mul3A, %mul3A_14 : vector<2048x1xf32>
    %mul3A_15 = arith.mulf %slice3A_10, %slice3A_10 : vector<2048x1xf32>
    %add3A_16 = arith.addf %add3A, %mul3A_15 : vector<2048x1xf32>
    %mul3A_17 = arith.mulf %slice3A_11, %slice3A_11 : vector<1x4096xf32>
    %mul3A_18 = arith.mulf %slice3A_12, %slice3A_12 : vector<1x4096xf32>
    %add3A_19 = arith.addf %mul3A_17, %mul3A_18 : vector<1x4096xf32>
    %mul3A_20 = arith.mulf %slice3A_13, %slice3A_13 : vector<1x4096xf32>
    %add3A_21 = arith.addf %add3A_19, %mul3A_20 : vector<1x4096xf32>
    %add3A_22 = vector.broadcast %add3A_16 : vector<2048x1xf32> to vector<2048x4096xf32>
    %add3A_23 = vector.broadcast %add3A_21 : vector<1x4096xf32> to vector<2048x4096xf32>
    %add3A_24 = arith.addf %add3A_22, %add3A_23 : vector<2048x4096xf32>
    %get3A_25 = arith.constant 0 : index
    %get3A_26 = arith.constant 0 : index
    %get3A_27 = arith.constant 0 : index
    %get3A_28 = vector.load %arg4[%get3A_25, %get3A_26, %get3A_27] : memref<1x2048x3xbf16, #tpu.memory_space<vmem>>, vector<1x2048x3xbf16>
    %get3A_29 = vector.shape_cast %get3A_28 : vector<1x2048x3xbf16> to vector<2048x3xbf16>
    %get3A_30 = arith.constant 0 : index
    %get3A_31 = arith.constant 0 : index
    %get3A_32 = arith.constant 0 : index
    %get3A_33 = vector.load %arg5[%get3A_30, %get3A_31, %get3A_32] : memref<1x3x4096xbf16, #tpu.memory_space<vmem>>, vector<1x3x4096xbf16>
    %get3A_34 = vector.shape_cast %get3A_33 : vector<1x3x4096xbf16> to vector<3x4096xbf16>
    %dot_general3A = arith.constant dense<0.000000e+00> : vector<2048x4096xf32>
    %dot_general3A_35 = tpu.matmul %get3A_29, %get3A_34, %dot_general3A {dimension_numbers = #tpu.dot_dimension_numbers<[1], [0], [0], [1], [0, 0, 1, 1], [], []>, transpose_lhs_hint = false} : vector<2048x3xbf16>, vector<3x4096xbf16>, vector<2048x4096xf32> -> vector<2048x4096xf32>
    %sub3A = arith.subf %add3A_24, %dot_general3A_35 : vector<2048x4096xf32>
    %argmin3A = tpu.reduce_index %sub3A {axis = 1 : i32, kind = #tpu.reduction_kind<arg_min>} : vector<2048x4096xf32> -> vector<2048xi32>
    %broadcast_in_dim3A = vector.shape_cast %argmin3A : vector<2048xi32> to vector<2048x1xi32>
    %mul3A_36 = arith.constant 4096 : i32
    %mul3A_37 = arith.muli %arg0, %mul3A_36 : i32
    %add3A_38 = vector.broadcast %mul3A_37 : i32 to vector<2048x1xi32>
    %add3A_39 = arith.addi %broadcast_in_dim3A, %add3A_38 : vector<2048x1xi32>
    %swap3A = arith.constant 0 : index
    %swap3A_40 = arith.constant 0 : index
    %swap3A_41 = arith.constant 0 : index
    %swap3A_42 = vector.load %arg6[%swap3A, %swap3A_40, %swap3A_41] : memref<1x2048x1xi32, #tpu.memory_space<vmem>>, vector<1x2048x1xi32>
    %swap3A_43 = vector.shape_cast %swap3A_42 : vector<1x2048x1xi32> to vector<2048x1xi32>
    %swap3A_44 = vector.shape_cast %add3A_39 : vector<2048x1xi32> to vector<1x2048x1xi32>
    tpu.vector_store %arg6[%swap3A, %swap3A_40, %swap3A_41], %swap3A_44 {strides = array<i32>} : memref<1x2048x1xi32, #tpu.memory_space<vmem>>, vector<1x2048x1xi32>,
    %reduce_min3A = arith.constant dense<0x7F800000> : vector<4096xf32>
    %reduce_min3A_45 = vector.multi_reduction <minimumf>, %sub3A, %reduce_min3A [0] : vector<2048x4096xf32> to vector<4096xf32>
    %broadcast_in_dim3A_46 = vector.shape_cast %reduce_min3A_45 : vector<4096xf32> to vector<1x4096xf32>
    %argmin3A_47 = tpu.reduce_index %sub3A {axis = 0 : i32, kind = #tpu.reduction_kind<arg_min>} : vector<2048x4096xf32> -> vector<4096xi32>
    %broadcast_in_dim3A_48 = vector.shape_cast %argmin3A_47 : vector<4096xi32> to vector<1x4096xi32>
    %mul3A_49 = arith.constant 2048 : i32
    %mul3A_50 = arith.muli %arg1, %mul3A_49 : i32
    %add3A_51 = vector.broadcast %mul3A_50 : i32 to vector<1x4096xi32>
    %add3A_52 = arith.addi %broadcast_in_dim3A_48, %add3A_51 : vector<1x4096xi32>
    %eq3A = arith.constant 0 : i32
    %eq3A_53 = arith.cmpi eq, %arg1, %eq3A : i32
    %convert_element_type3A = arith.extui %eq3A_53 : i1 to i32
    %cond3A = arith.constant 0 : i32
    %cond3A_54 = arith.cmpi ne, %convert_element_type3A, %cond3A : i32
    scf.if %cond3A_54 {
      %swap3A_64 = arith.constant 0 : index
      %swap3A_65 = arith.constant 0 : index
      %swap3A_66 = vector.load %arg8[%swap3A_64, %swap3A_65] : memref<1x4096xf32, #tpu.memory_space<vmem>>, vector<1x4096xf32>
      tpu.vector_store %arg8[%swap3A_64, %swap3A_65], %broadcast_in_dim3A_46 {strides = array<i32>} : memref<1x4096xf32, #tpu.memory_space<vmem>>, vector<1x4096xf32>,
      %swap3A_67 = arith.constant 0 : index
      %swap3A_68 = arith.constant 0 : index
      %swap3A_69 = vector.load %arg9[%swap3A_67, %swap3A_68] : memref<1x4096xi32, #tpu.memory_space<vmem>>, vector<1x4096xi32>
      tpu.vector_store %arg9[%swap3A_67, %swap3A_68], %add3A_52 {strides = array<i32>} : memref<1x4096xi32, #tpu.memory_space<vmem>>, vector<1x4096xi32>,
    } else {
    }
    %gt3A = arith.constant 0 : i32
    %gt3A_55 = arith.cmpi sgt, %arg1, %gt3A : i32
    %convert_element_type3A_56 = arith.extui %gt3A_55 : i1 to i32
    %cond3A_57 = arith.constant 0 : i32
    %cond3A_58 = arith.cmpi ne, %convert_element_type3A_56, %cond3A_57 : i32
    scf.if %cond3A_58 {
      %get3A_64 = arith.constant 0 : index
      %get3A_65 = arith.constant 0 : index
      %get3A_66 = vector.load %arg8[%get3A_64, %get3A_65] : memref<1x4096xf32, #tpu.memory_space<vmem>>, vector<1x4096xf32>
      %lt3A = arith.cmpf olt, %broadcast_in_dim3A_46, %get3A_66 : vector<1x4096xf32>
      %get3A_67 = arith.constant 0 : index
      %get3A_68 = arith.constant 0 : index
      %get3A_69 = vector.load %arg8[%get3A_67, %get3A_68] : memref<1x4096xf32, #tpu.memory_space<vmem>>, vector<1x4096xf32>
      %select_n3A = arith.select %lt3A, %broadcast_in_dim3A_46, %get3A_69 : vector<1x4096xi1>, vector<1x4096xf32>
      %swap3A_70 = arith.constant 0 : index
      %swap3A_71 = arith.constant 0 : index
      %swap3A_72 = vector.load %arg8[%swap3A_70, %swap3A_71] : memref<1x4096xf32, #tpu.memory_space<vmem>>, vector<1x4096xf32>
      tpu.vector_store %arg8[%swap3A_70, %swap3A_71], %select_n3A {strides = array<i32>} : memref<1x4096xf32, #tpu.memory_space<vmem>>, vector<1x4096xf32>,
      %get3A_73 = arith.constant 0 : index
      %get3A_74 = arith.constant 0 : index
      %get3A_75 = vector.load %arg9[%get3A_73, %get3A_74] : memref<1x4096xi32, #tpu.memory_space<vmem>>, vector<1x4096xi32>
      %select_n3A_76 = arith.select %lt3A, %add3A_52, %get3A_75 : vector<1x4096xi1>, vector<1x4096xi32>
      %swap3A_77 = arith.constant 0 : index
      %swap3A_78 = arith.constant 0 : index
      %swap3A_79 = vector.load %arg9[%swap3A_77, %swap3A_78] : memref<1x4096xi32, #tpu.memory_space<vmem>>, vector<1x4096xi32>
      tpu.vector_store %arg9[%swap3A_77, %swap3A_78], %select_n3A_76 {strides = array<i32>} : memref<1x4096xi32, #tpu.memory_space<vmem>>, vector<1x4096xi32>,
    } else {
    }
    %eq3A_59 = arith.constant 1 : i32
    %eq3A_60 = arith.cmpi eq, %arg1, %eq3A_59 : i32
    %convert_element_type3A_61 = arith.extui %eq3A_60 : i1 to i32
    %cond3A_62 = arith.constant 0 : i32
    %cond3A_63 = arith.cmpi ne, %convert_element_type3A_61, %cond3A_62 : i32
    scf.if %cond3A_63 {
      %get3A_64 = arith.constant 0 : index
      %get3A_65 = arith.constant 0 : index
      %get3A_66 = vector.load %arg9[%get3A_64, %get3A_65] : memref<1x4096xi32, #tpu.memory_space<vmem>>, vector<1x4096xi32>
      %mul3A_67 = arith.constant 4096 : i32
      %mul3A_68 = arith.muli %arg0, %mul3A_67 : i32
      %add3A_69 = vector.broadcast %mul3A_68 : i32 to vector<1x4096xi32>
      %add3A_70 = arith.addi %get3A_66, %add3A_69 : vector<1x4096xi32>
      %swap3A_71 = arith.constant 0 : index
      %swap3A_72 = arith.constant 0 : index
      %swap3A_73 = arith.constant 0 : index
      %swap3A_74 = vector.load %arg7[%swap3A_71, %swap3A_72, %swap3A_73] : memref<1x1x4096xi32, #tpu.memory_space<vmem>>, vector<1x1x4096xi32>
      %swap3A_75 = vector.shape_cast %swap3A_74 : vector<1x1x4096xi32> to vector<1x4096xi32>
      %swap3A_76 = vector.shape_cast %add3A_70 : vector<1x4096xi32> to vector<1x1x4096xi32>
      tpu.vector_store %arg7[%swap3A_71, %swap3A_72, %swap3A_73], %swap3A_76 {strides = array<i32>} : memref<1x1x4096xi32, #tpu.memory_space<vmem>>, vector<1x1x4096xi32>,
    } else {
    }
    return
  }
  func.func @transform_0(%arg0: i32, %arg1: i32) -> (i32, i32, i32) {
    %c0_i32 = arith.constant 0 : i32
    %c0_i32_0 = arith.constant 0 : i32
    return %arg0, %arg1, %c0_i32 : i32, i32, i32
  }
  func.func @transform_1(%arg0: i32, %arg1: i32) -> (i32, i32, i32) {
    %c0_i32 = arith.constant 0 : i32
    %c0_i32_0 = arith.constant 0 : i32
    %c0_i32_1 = arith.constant 0 : i32
    return %arg0, %c0_i32, %c0_i32_0 : i32, i32, i32
  }
  func.func @transform_2(%arg0: i32, %arg1: i32) -> (i32, i32, i32) {
    %c0_i32 = arith.constant 0 : i32
    %c0_i32_0 = arith.constant 0 : i32
    return %arg0, %arg1, %c0_i32 : i32, i32, i32
  }
  func.func @transform_3(%arg0: i32, %arg1: i32) -> (i32, i32, i32) {
    %c0_i32 = arith.constant 0 : i32
    %c0_i32_0 = arith.constant 0 : i32
    %c0_i32_1 = arith.constant 0 : i32
    return %arg0, %c0_i32, %c0_i32_0 : i32, i32, i32
  }
  func.func @transform_4(%arg0: i32, %arg1: i32) -> (i32, i32, i32) {
    %c0_i32 = arith.constant 0 : i32
    %c0_i32_0 = arith.constant 0 : i32
    return %arg0, %arg1, %c0_i32 : i32, i32, i32
  }
  func.func @transform_5(%arg0: i32, %arg1: i32) -> (i32, i32, i32) {
    %c0_i32 = arith.constant 0 : i32
    %c0_i32_0 = arith.constant 0 : i32
    %c0_i32_1 = arith.constant 0 : i32
    return %arg0, %c0_i32, %c0_i32_0 : i32, i32, i32
  }
}

module attributes {stable_mosaic.version = 14 : i64} {
  func.func @_reduce_kernel(%arg0: i32, %arg1: memref<4096x128xf32, #tpu.memory_space<vmem>>, %arg2: memref<4096x3xf32, #tpu.memory_space<vmem>>, %arg3: memref<4096x128xf32, #tpu.memory_space<vmem>>, %arg4: memref<4096x3xf32, #tpu.memory_space<vmem>>, %arg5: memref<1x1xf32, #tpu.memory_space<vmem>>, %arg6: memref<1x1xf32, #tpu.memory_space<smem>>) attributes {dimension_semantics = [#tpu.dimension_semantics<arbitrary>], iteration_bounds = array<i64: 8>, scalar_prefetch = 0 : i64, scratch_operands = 1 : i64, tpu.core_type = #tpu.core_type<tc>, window_params = [{transform_indices = @transform_0, window_bounds = array<i64: 4096, 128>}, {transform_indices = @transform_1, window_bounds = array<i64: 4096, 3>}, {transform_indices = @transform_2, window_bounds = array<i64: 4096, 128>}, {transform_indices = @transform_3, window_bounds = array<i64: 4096, 3>}, {pipeline_mode = #tpu.pipeline_mode<synchronous>, transform_indices = @transform_4, window_bounds = array<i64: 1, 1>}]} {
    %get3A = arith.constant 0 : index
    %get3A_0 = arith.constant 0 : index
    %get3A_1 = vector.load %arg1[%get3A, %get3A_0] : memref<4096x128xf32, #tpu.memory_space<vmem>>, vector<4096x128xf32>
    %slice3A = vector.extract_strided_slice %get3A_1 {offsets = [0, 0], sizes = [4096, 3], strides = [1, 1]} : vector<4096x128xf32> to vector<4096x3xf32>
    %get3A_2 = arith.constant 0 : index
    %get3A_3 = arith.constant 0 : index
    %get3A_4 = vector.load %arg2[%get3A_2, %get3A_3] : memref<4096x3xf32, #tpu.memory_space<vmem>>, vector<4096x3xf32>
    %sub3A = arith.subf %slice3A, %get3A_4 : vector<4096x3xf32>
    %get3A_5 = arith.constant 0 : index
    %get3A_6 = arith.constant 0 : index
    %get3A_7 = vector.load %arg3[%get3A_5, %get3A_6] : memref<4096x128xf32, #tpu.memory_space<vmem>>, vector<4096x128xf32>
    %slice3A_8 = vector.extract_strided_slice %get3A_7 {offsets = [0, 0], sizes = [4096, 3], strides = [1, 1]} : vector<4096x128xf32> to vector<4096x3xf32>
    %get3A_9 = arith.constant 0 : index
    %get3A_10 = arith.constant 0 : index
    %get3A_11 = vector.load %arg4[%get3A_9, %get3A_10] : memref<4096x3xf32, #tpu.memory_space<vmem>>, vector<4096x3xf32>
    %sub3A_12 = arith.subf %slice3A_8, %get3A_11 : vector<4096x3xf32>
    %mul3A = arith.mulf %sub3A, %sub3A : vector<4096x3xf32>
    %reduce_sum3A = arith.constant dense<0.000000e+00> : vector<4096xf32>
    %reduce_sum3A_13 = vector.multi_reduction <add>, %mul3A, %reduce_sum3A [1] : vector<4096x3xf32> to vector<4096xf32>
    %broadcast_in_dim3A = vector.shape_cast %reduce_sum3A_13 : vector<4096xf32> to vector<4096x1xf32>
    %mul3A_14 = arith.mulf %sub3A_12, %sub3A_12 : vector<4096x3xf32>
    %reduce_sum3A_15 = arith.constant dense<0.000000e+00> : vector<4096xf32>
    %reduce_sum3A_16 = vector.multi_reduction <add>, %mul3A_14, %reduce_sum3A_15 [1] : vector<4096x3xf32> to vector<4096xf32>
    %broadcast_in_dim3A_17 = vector.shape_cast %reduce_sum3A_16 : vector<4096xf32> to vector<4096x1xf32>
    %add3A = arith.constant 9.99999993E-9 : f32
    %add3A_18 = vector.broadcast %add3A : f32 to vector<4096x1xf32>
    %add3A_19 = arith.addf %broadcast_in_dim3A, %add3A_18 : vector<4096x1xf32>
    %sqrt3A = math.sqrt %add3A_19 : vector<4096x1xf32>
    %reduce_sum3A_20 = vector.shape_cast %sqrt3A : vector<4096x1xf32> to vector<1x4096x1xf32>
    %reduce_sum3A_21 = arith.constant dense<0.000000e+00> : vector<1xf32>
    %reduce_sum3A_22 = vector.multi_reduction <add>, %reduce_sum3A_20, %reduce_sum3A_21 [1, 2] : vector<1x4096x1xf32> to vector<1xf32>
    %reduce_sum3A_23 = vector.shape_cast %reduce_sum3A_22 : vector<1xf32> to vector<1x1x1xf32>
    %reduce_sum3A_24 = vector.extract %reduce_sum3A_23[0, 0, 0] : f32 from vector<1x1x1xf32>
    %add3A_25 = arith.constant 9.99999993E-9 : f32
    %add3A_26 = vector.broadcast %add3A_25 : f32 to vector<4096x1xf32>
    %add3A_27 = arith.addf %broadcast_in_dim3A_17, %add3A_26 : vector<4096x1xf32>
    %sqrt3A_28 = math.sqrt %add3A_27 : vector<4096x1xf32>
    %reduce_sum3A_29 = vector.shape_cast %sqrt3A_28 : vector<4096x1xf32> to vector<1x4096x1xf32>
    %reduce_sum3A_30 = arith.constant dense<0.000000e+00> : vector<1xf32>
    %reduce_sum3A_31 = vector.multi_reduction <add>, %reduce_sum3A_29, %reduce_sum3A_30 [1, 2] : vector<1x4096x1xf32> to vector<1xf32>
    %reduce_sum3A_32 = vector.shape_cast %reduce_sum3A_31 : vector<1xf32> to vector<1x1x1xf32>
    %reduce_sum3A_33 = vector.extract %reduce_sum3A_32[0, 0, 0] : f32 from vector<1x1x1xf32>
    %add3A_34 = arith.addf %reduce_sum3A_24, %reduce_sum3A_33 : f32
    %eq3A = arith.constant 0 : i32
    %eq3A_35 = arith.cmpi eq, %arg0, %eq3A : i32
    %convert_element_type3A = arith.extui %eq3A_35 : i1 to i32
    %cond3A = arith.constant 0 : i32
    %cond3A_36 = arith.cmpi ne, %convert_element_type3A, %cond3A : i32
    scf.if %cond3A_36 {
      %swap3A_48 = arith.constant 0.000000e+00 : f32
      %swap3A_49 = arith.constant 0 : index
      %swap3A_50 = arith.constant 0 : index
      %swap3A_51 = memref.load %arg6[%swap3A_49, %swap3A_50] : memref<1x1xf32, #tpu.memory_space<smem>>
      memref.store %swap3A_48, %arg6[%swap3A_49, %swap3A_50] : memref<1x1xf32, #tpu.memory_space<smem>>
    } else {
    }
    %get3A_37 = arith.constant 0 : index
    %get3A_38 = arith.constant 0 : index
    %get3A_39 = memref.load %arg6[%get3A_37, %get3A_38] : memref<1x1xf32, #tpu.memory_space<smem>>
    %add3A_40 = arith.addf %get3A_39, %add3A_34 : f32
    %swap3A = arith.constant 0 : index
    %swap3A_41 = arith.constant 0 : index
    %swap3A_42 = memref.load %arg6[%swap3A, %swap3A_41] : memref<1x1xf32, #tpu.memory_space<smem>>
    memref.store %add3A_40, %arg6[%swap3A, %swap3A_41] : memref<1x1xf32, #tpu.memory_space<smem>>
    %eq3A_43 = arith.constant 7 : i32
    %eq3A_44 = arith.cmpi eq, %arg0, %eq3A_43 : i32
    %convert_element_type3A_45 = arith.extui %eq3A_44 : i1 to i32
    %cond3A_46 = arith.constant 0 : i32
    %cond3A_47 = arith.cmpi ne, %convert_element_type3A_45, %cond3A_46 : i32
    scf.if %cond3A_47 {
      %get3A_48 = arith.constant 0 : index
      %get3A_49 = arith.constant 0 : index
      %get3A_50 = memref.load %arg6[%get3A_48, %get3A_49] : memref<1x1xf32, #tpu.memory_space<smem>>
      %div3A = arith.constant 3.276800e+04 : f32
      %div3A_51 = arith.divf %get3A_50, %div3A : f32
      %broadcast_in_dim3A_52 = vector.broadcast %div3A_51 : f32 to vector<1x1xf32>
      %swap3A_53 = arith.constant 0 : index
      %swap3A_54 = arith.constant 0 : index
      %swap3A_55 = vector.load %arg5[%swap3A_53, %swap3A_54] : memref<1x1xf32, #tpu.memory_space<vmem>>, vector<1x1xf32>
      tpu.vector_store %arg5[%swap3A_53, %swap3A_54], %broadcast_in_dim3A_52 {strides = array<i32>} : memref<1x1xf32, #tpu.memory_space<vmem>>, vector<1x1xf32>,
    } else {
    }
    return
  }
  func.func @transform_0(%arg0: i32) -> (i32, i32) {
    %c0_i32 = arith.constant 0 : i32
    %c0_i32_0 = arith.constant 0 : i32
    return %arg0, %c0_i32 : i32, i32
  }
  func.func @transform_1(%arg0: i32) -> (i32, i32) {
    %c0_i32 = arith.constant 0 : i32
    %c0_i32_0 = arith.constant 0 : i32
    return %arg0, %c0_i32 : i32, i32
  }
  func.func @transform_2(%arg0: i32) -> (i32, i32) {
    %c0_i32 = arith.constant 0 : i32
    %c0_i32_0 = arith.constant 0 : i32
    return %arg0, %c0_i32 : i32, i32
  }
  func.func @transform_3(%arg0: i32) -> (i32, i32) {
    %c0_i32 = arith.constant 0 : i32
    %c0_i32_0 = arith.constant 0 : i32
    return %arg0, %c0_i32 : i32, i32
  }
  func.func @transform_4(%arg0: i32) -> (i32, i32) {
    %c0_i32 = arith.constant 0 : i32
    %c0_i32_0 = arith.constant 0 : i32
    %c0_i32_1 = arith.constant 0 : i32
    return %c0_i32, %c0_i32_0 : i32, i32
  }
}

</mosaic_0001>

<sc_bundles>
// kernel: kernel.5.cloned.1.call-start
scs
__scs_entry_jumppad:
0x0: {  	(pc) =	sbr.rel $0x88, $3  }
0x1: {  	(tag) =	ssettag $0x0;
	lr =	simm.s32 $0x1  }
0x2: {  	[smem:$0x3F9F] =	sst lr;
	_ =	strace $0xD0000000  }
0x3: {  	_ = 	snop  }
0x4: {  	_ = 	snop  }
0x5: {  	_ = 	snop  }
0x6: {  	_ = 	snop  }
0x7: {  	_ = 	snop  }
__scs_overlays_trampoline_lowered:
0x8: {  	[smem:$0x3FAE] =	sst s0  }
0x9: {  	[smem:$0x3FAF] =	sst s1  }
0xa: {  	[smem:$0x3FB0] =	sst s2  }
0xb: {  	[smem:$0x3FB1] =	sst s3  }
0xc: {  	[smem:$0x3FB2] =	sst s4  }
0xd: {  	[smem:$0x3FB3] =	sst s5  }
0xe: {  	[smem:$0x3FB4] =	sst s6  }
0xf: {  	[smem:$0x3FB5] =	sst s7  }
0x10: {  	[smem:$0x3FB6] =	sst s8  }
0x11: {  	[smem:$0x3FB7] =	sst s9;
	s0 =	simm.s32 @!p0 $0x0  }
0x12: {  	s1 =	sld [smem:$0x3F9D];
	s0 =	simm.s32 @p0 $0x1  }
0x13: {  	[smem:$0x3FB8] =	sst s0;
	s0 =	simm.s32 @!p1 $0x0  }
0x14: {  	s2 =	sld [smem:$0x3F9C];
	s0 =	simm.s32 @p1 $0x1  }
0x15: {  	[smem:$0x3FB9] =	sst s0;
	s0 =	simm.s32 @!p2 $0x0  }
0x16: {  	s3 =	sld [smem:$0x3FDB];
	s0 =	simm.s32 @p2 $0x1  }
0x17: {  	s4 =	simm.s32 $0x1BF5;
	[smem:$0x3FBB] =	sst s0  }
0x18: {  	s0 =	sld [smem:$0x3F9E];
	_ =	swait.ge [sflag:s4], $0x0  }
0x19: {  	s7 =	sld [smem:$0x3F9F]  }
0x1a: {  	s8 =	sadd.s32 $0xFFFFE003, lr  }
0x1b: {  	s9 =	sadd.s32 $0xFFFFFEF7, lr;
	s5 =	simm.s32 $0xFFFFFFFF;
	p2 =	slt.u32 s8, $0xFFFFF086  }
0x1c: {  	p1 =	slt.u32 s9, $0xF7A;
	s5 =	simm.s32 @!p2 $0x0  }
0x1d: {  	s5 =	simm.s32 @p1 $0x1;
	p0 =	seq.s32 s7, s2  }
0x1e: {  	s7 =	smul.u32 @!p0 $0xF7A, s2;
	p2 =	seq.s32 @!p0 s5, $0x0  }
0x1f: {  	s9 =	smul.u32 $0xF7A, s1;
	s8 =	simm.s32 @!p0 $0x1BF5;
	p2 =	por !p2, p0  }
0x20: {  	[sflag:s8] =	ssyncset.s32 @!p0 $0xFFFFF086;
	s6 =	sadd.s32 @!p0 s3, s7;
	s7 =	simm.s32 @!p0 $0x108  }
0x21: {  	s3 =	sadd.s32 s3, s9;
	s6 =	sadd.s32 @!p0 $0x88, s6;
	s7 =	simm.s32 @p2 $0x1082  }
0x22: {  	[simem:s7], [sflag:s8] =	dma.local @!p0 [hbm:s6], $0xF7A  }
0x23: {  	s9 =	sor.u32 $0xD0000000, s2;
	s6 =	simm.s32 $0x108;
	_ =	swait.ge @!p0 [sflag:s8], $0x0  }
0x24: {  	s3 =	sadd.s32 $0x88, s3;
	s6 =	simm.s32 @!p1 $0x1082;
	[sflag:s4] =	ssyncset.s32 $0xFFFFF086  }
0x25: {  	[simem:s6], [sflag:s4] =	dma.local [hbm:s3], $0xF7A  }
0x26: {  	[smem:$0x3F9F] =	sst s1;
	(tag) =	ssettag s2;
	_ =	strace s9  }
0x27: {  	s1 =	sld [smem:$0x3FAF]  }
0x28: {  	s2 =	sld [smem:$0x3FB0]  }
0x29: {  	s4 =	sld [smem:$0x3FB2]  }
0x2a: {  	p0 =	seq.s32 s5, $0x0;
	s5 =	sld [smem:$0x3FB3]  }
0x2b: {  	s6 =	sld [smem:$0x3FB4]  }
0x2c: {  	s7 =	sld [smem:$0x3FB5]  }
0x2d: {  	s3 =	simm.s32 $0x108;
	s8 =	sld [smem:$0x3FB6]  }
0x2e: {  	s3 =	simm.s32 @!p0 $0x1082;
	s9 =	sld [smem:$0x3FB7]  }
0x2f: {  	lr =	sadd.s32 s0, s3;
	s0 =	sld [smem:$0x3FAE]  }
0x30: {  	s3 =	sld [smem:$0x3FB1]  }
0x31: {  	[smem:$0x3FBA] =	sst s10  }
0x32: {  	s10 =	sld [smem:$0x3FB8];
	_ =	sdelay $0x3  }
0x33: {  	p0 =	seq.s32 s10, $0x1;
	s10 =	sld [smem:$0x3FBA];
	_ =	sdelay $0x3  }
0x34: {  	[smem:$0x3FBA] =	sst s10  }
0x35: {  	s10 =	sld [smem:$0x3FB9];
	_ =	sdelay $0x3  }
0x36: {  	p1 =	seq.s32 s10, $0x1;
	s10 =	sld [smem:$0x3FBA];
	_ =	sdelay $0x3  }
0x37: {  	[smem:$0x3FBA] =	sst s10  }
0x38: {  	s10 =	sld [smem:$0x3FBB]  }
0x39: {  	_ = 	snop;
	(pc) =	sbr.ind lr, $3  }
0x3a: {  	_ = 	snop  }
0x3b: {  	_ = 	snop  }
0x3c: {  	p2 =	seq.s32 s10, $0x1;
	s10 =	sld [smem:$0x3FBA]  }
0x3d: {  	_ =	shalt  }
0x3e: {  	_ =	shalt  }
0x3f: {  	_ =	shalt  }
0x40: {  	_ =	shalt  }
0x41: {  	_ =	shalt  }
0x42: {  	_ =	shalt  }
0x43: {  	_ =	shalt  }
0x44: {  	_ =	shalt  }
0x45: {  	_ =	shalt  }
0x46: {  	_ =	shalt  }
0x47: {  	_ =	shalt  }
0x48: {  	_ =	shalt  }
0x49: {  	_ =	shalt  }
0x4a: {  	_ =	shalt  }
0x4b: {  	_ =	shalt  }
0x4c: {  	_ =	shalt  }
0x4d: {  	_ =	shalt  }
0x4e: {  	_ =	shalt  }
0x4f: {  	_ =	shalt  }
0x50: {  	_ =	shalt  }
0x51: {  	_ =	shalt  }
0x52: {  	_ =	shalt  }
0x53: {  	_ =	shalt  }
0x54: {  	_ =	shalt  }
0x55: {  	_ =	shalt  }
0x56: {  	_ =	shalt  }
0x57: {  	_ =	shalt  }
0x58: {  	_ =	shalt  }
0x59: {  	_ =	shalt  }
0x5a: {  	_ =	shalt  }
0x5b: {  	_ =	shalt  }
0x5c: {  	_ =	shalt  }
0x5d: {  	_ =	shalt  }
0x5e: {  	_ =	shalt  }
0x5f: {  	_ =	shalt  }
0x60: {  	_ =	shalt  }
0x61: {  	_ =	shalt  }
0x62: {  	_ =	shalt  }
0x63: {  	_ =	shalt  }
0x64: {  	_ =	shalt  }
0x65: {  	_ =	shalt  }
0x66: {  	_ =	shalt  }
0x67: {  	_ =	shalt  }
0x68: {  	_ =	shalt  }
0x69: {  	_ =	shalt  }
0x6a: {  	_ =	shalt  }
0x6b: {  	_ =	shalt  }
0x6c: {  	_ =	shalt  }
0x6d: {  	_ =	shalt  }
0x6e: {  	_ =	shalt  }
0x6f: {  	_ =	shalt  }
0x70: {  	_ =	shalt  }
0x71: {  	_ =	shalt  }
0x72: {  	_ =	shalt  }
0x73: {  	_ =	shalt  }
0x74: {  	_ =	shalt  }
0x75: {  	_ =	shalt  }
0x76: {  	_ =	shalt  }
0x77: {  	_ =	shalt  }
0x78: {  	_ =	shalt  }
0x79: {  	_ =	shalt  }
0x7a: {  	_ =	shalt  }
0x7b: {  	_ =	shalt  }
0x7c: {  	_ =	shalt  }
0x7d: {  	_ =	shalt  }
0x7e: {  	_ =	shalt  }
0x7f: {  	_ =	shalt  }
0x80: {  	_ =	shalt  }
0x81: {  	_ =	shalt  }
0x82: {  	_ =	shalt  }
0x83: {  	_ =	shalt  }
0x84: {  	_ =	shalt  }
0x85: {  	_ =	shalt  }
0x86: {  	_ =	shalt  }
0x87: {  	_ =	shalt  }
.Lfunc_end0:
.L_simem_size_0:
called_computation_lowered:
.L_overlay_start_0:
0x88: {  	s2 =	sld [smem:$0x3FD9]  }
0x89: {  	s3 =	sld [smem:$0x3FFE];
	_ =	sdelay $0x1  }
0x8a: {  	s1 =	srdreg.scid  }
0x8b: {  	s0 =	sand.u32 $0x1, s1  }
0x8c: {  	s16 =	sshll.u32 s0, $0xA;
	s2 =	sadd.s32 s3, s2  }
0x8d: {  	s2 =	sadd.s32 s2, s16  }
0x8e: {  	[smem:$0x3FC6] =	sst s2  }
0x8f: {  	_ = 	snop  }
0x90: {  	(tm) =	ssettm $0x1  }
0x91: {  	s17 =	sld [smem:$0x3FFB];
	_ =	sdelay $0x3  }
0x92: {  	_ =	strace s17  }
0x93: {  	s2 =	sld [smem:$0x3FFC];
	_ =	sdelay $0x3  }
0x94: {  	_ =	strace s2  }
0x95: {  	s2 =	sld [smem:$0x3FFD];
	_ =	sdelay $0x3  }
0x96: {  	_ =	strace s2  }
0x97: {  	_ =	strace $0x8FFFFFFF  }
0x98: {  	s18 =	sld [smem:$0x3FDB];
	_ =	sdelay $0x1  }
0x99: {  	s19 =	simm.s32 $_scs_section_size  }
0x9a: {  	s4 =	simm.s32 $_size__tile_overlayer_lowered;
	s5 =	simm.s32 $_tile_overlayer_lowered  }
0x9b: {  	s22 =	simm.s32 $0x1BFF;
	s21 =	sshll.u32 s5, $0x1;
	s2 =	sadd.s32 s19, s18  }
0x9c: {  	s6 =	simm.s32 $0x0;
	s20 =	sshll.u32 s4, $0x1;
	s4 =	sadd.s32 s21, s2  }
0x9d: {  	[timem:s6], [sflag:s22] =	dma.local [hbm:s4], s20  }
0x9e: {  	_ =	swait.ge [sflag:s22], s20  }
0x9f: {  	s3 =	ssub.s32 $0x0, s20;
	[sflag:s22] =	ssyncset.done $0x0  }
0xa0: {  	[sflag:s22] =	ssyncadd.s32 s3;
	_ =	sdelay $0x1  }
0xa1: {  	s23 =	simm.s32 $0x1B8B  }
0xa2: {  	_ =	swait.ge [sflag:s23], $0x1  }
0xa3: {  	[sflag:s23] =	ssyncset.done $0x0  }
0xa4: {  	s25 =	simm.s32 $0x1B8E;
	s24 =	sld [smem:$0x3FFE];
	[sflag:s23] =	ssyncadd.s32 $0xFFFFFFFF  }
0xa5: {  	s26 =	simm.s32 $execute0_lowered;
	[smem:$0x3FD2] =	sst s25  }
0xa6: {  	s4 =	sshll.u32 s26, $0x1;
	_ =	strace $0x80000046;
	[dreg:$0x1] =	wrdreg $0xFFFFFFFF  }
0xa7: {  	s28 =	simm.s32 $_size_execute0_lowered;
	s2 =	sadd.s32 s2, s4;
	[dreg:$0x0] =	wrdreg $0x0  }
0xa8: {  	s4 =	sshll.u32 s28, $0x1;
	[dreg:$0x2] =	wrdreg s2  }
0xa9: {  	[dreg:$0x3] =	wrdreg s4  }
0xaa: {  	[dreg:$0x4] =	wrdreg $0xC0  }
0xab: {  	_ =	task [dreg:s6], $0x5FFFF  }
0xac: {  	[dreg:$0x1] =	wrdreg $0xFFFFFFFF  }
0xad: {  	[dreg:$0x0] =	wrdreg $0x60  }
0xae: {  	[dreg:$0x2] =	wrdreg s24  }
0xaf: {  	[dreg:$0x3] =	wrdreg $0x9  }
0xb0: {  	_ =	task.clear_ibuf [dreg:s6], $0x4FFFF;
	_ =	strace $0x90000046  }
0xb1: {  	s29 =	simm.s32 $0x9;
	_ =	strace $0x80000053  }
0xb2: {  	_ =	swait.ge [sflag:s29], $0x1  }
0xb3: {  	[sflag:s29] =	ssyncadd.s32 $0xFFFFFFFF  }
0xb4: {  	_ =	strace $0x90000053  }
0xb5: {  	_ =	sfence  }
0xb6: {  	s30 =	sld [smem:$0x0];
	_ =	sdelay $0x2  }
0xb7: {  	s31 =	sshll.u32 s1, $0xD;
	s1 =	sshrl.u32 s1, $0x2  }
0xb8: {  	s3 =	sand.u32 $0x4000, s31;
	s1 =	sadd.s32 s1, s30  }
0xb9: {  	s0 =	sor.u32 s3, s0;
	s1 =	sshll.u32 s1, $0x11  }
0xba: {  	s0 =	sor.u32 s1, s0  }
0xbb: {  	s0 =	sadd.s32 $0x8F2B, s0  }
0xbc: {  	[sflag:s0] =	ssyncadd.remote.s32 $0x1  }
0xbd: {  	_ =	sfence.sel $0xFFFF  }
0xbe: {  	[dreg:$0x0] =	wrdreg $0xFFFFFFFF;
	(pc) =	sbr.abs _section_cstart, $3  }
0xbf: {  	[dreg:$0x1] =	wrdreg $0xFFFFFFFF  }
0xc0: {  	_ =	task.clear_ibuf [dreg:s6], $0x2FFFF;
	_ =	strace $0x9FFFFFFF  }
0xc1: {  	(tm) =	ssettm $0x7FFFFFFF  }
tec
execute0_lowered:
.L_overlay_start_1:
0x0: {  	(tag) =	ssettag $0x1  }
0x1: {  	s0 =	rddreg [dreg:$0x0];
	s1 =	simm.s32 $0x0  }
0x2: {  	s3 =	srdreg.scid;
	s9 =	stileid.u32;
	s14 =	simm.s32 $0x80  }
0x3: {  	s15 =	simm.s32 $0x9;
	s16 =	simm.s32 $0x0;
	[smem:$0x7FF] =	sst s1  }
0x4: {  	s2 =	sadd.s32 $0x203000, s0;
	s4 =	sadd.s32 $0x82000, s0;
	s5 =	sadd.s32 $0x183000, s0  }
0x5: {  	s3 =	sand.u32 $0x1, s3;
	s6 =	sadd.s32 $0x102000, s0;
	s7 =	sadd.s32 $0x283000, s0  }
0x6: {  	_ =	strace $0x80000047;
	s8 =	sshll.u32 s3, $0x4;
	s3 =	ssub.s32 $0x2, s3  }
0x7: {  	s9 =	sor.u32 s9, s8;
	s8 =	sadd.s32 $0x303000, s0;
	s31 =	sshrl.u32 s3, $0x1  }
0x8: {  	s11 =	sshll.u32 s9, $0x7;
	s0 =	ssub.s32 s3, s31;
	s9 =	sshll.u32 s9, $0x3  }
0x9: {  	s10 =	sadd.s32 s4, s11;
	s11 =	sadd.s32 s6, s11;
	s12 =	smax.u32 s0, $0x1  }
.LBB2_1:
0xa: {  	_ =	strace $0x80000048  }
0xb: {  	s0 =	simm.s32 $0x100;
	s26 =	simm.s32 $0x1;
	s18 =	simm.s32 $0x8  }
0xc: {  	s28 =	simm.s32 $0x0;
	s17 =	simm.s32 $0x0;
	s19 =	simm.s32 $0x0  }
0xd: {  	[tilespmem:s1], [sflag:$0x1] =	stream.linear.gather [hbm4b:s10+s1], $0x80, $0x200038;
	[tilespmem:$0x10200] =	vst v63  }
0xe: {  	s24 =	simm.s32 $0x0;
	s20 =	simm.s32 $0x0;
	s21 =	simm.s32 $0x0  }
0xf: {  	[tilespmem:s0], [sflag:$0x3] =	stream.linear.gather [hbm4b:s11+s1], $0x80, $0x200038;
	[tilespmem:$0x10200] =	vst v63  }
0x10: {  	s22 =	simm.s32 $0x1;
	s23 =	simm.s32 $0x0;
	_ =	strace $0x90000048  }
.LBB2_2:
0x11: {  	s25 =	sadd.s32 $0x1, s28  }
0x12: {  	p0 =	seq.s32 s25, $0x8  }
0x13: {  	s25 =	simm.s32 @p0 $0x0;
	p0 =	seq.s32 s18, $0x1  }
0x14: {  	p1 =	seq.s32 @!p0 s28, s25  }
0x15: {  	p2 =	por p1, p0  }
0x16: {  	s0 =	sadd.s32 @!p2 s9, s25  }
0x17: {  	s3 =	sand.u32 @!p2 $0x1, s26;
	s0 =	sshll.u32 @!p2 s0, $0x4  }
0x18: {  	_ =	strace @!p2 $0x80000049;
	s31 =	simm.s32 @!p2 $0x0;
	s0 =	sand.u32 @!p2 $0x1FFFFFF0, s0  }
0x19: {  	s29 =	sshll.u32 @!p2 s3, $0x7;
	s3 =	sadd.s32 @!p2 $0x1, s3;
	s30 =	sadd.s32 @!p2 s4, s0  }
0x1a: {  	[tilespmem:s29], [sflag:s3] =	stream.linear.gather @!p2 [hbm4b:s30+s31], $0x80, $0x200038;
	[tilespmem:$0x10200] =	vst v63  }
0x1b: {  	s3 =	sand.u32 @!p2 $0x1, s22  }
0x1c: {  	s0 =	sadd.s32 @!p2 s6, s0;
	_ =	strace @!p2 $0x90000049;
	s29 =	sshll.u32 @!p2 s3, $0x7  }
0x1d: {  	s3 =	sadd.s32 @!p2 $0x3, s3;
	_ =	strace @!p2 $0x8000004A;
	s29 =	sor.u32 @!p2 $0x100, s29  }
0x1e: {  	[tilespmem:s29], [sflag:s3] =	stream.linear.gather @!p2 [hbm4b:s0+s31], $0x80, $0x200038;
	[tilespmem:$0x10200] =	vst v63  }
0x1f: {  	s3 =	sand.u32 $0x1, s23;
	_ =	strace @!p2 $0x9000004A  }
0x20: {  	s0 =	sadd.s32 $0x1, s3;
	_ =	strace $0x8000004B  }
0x21: {  	_ =	swait.ge [sflag:s0], $0x80  }
0x22: {  	[sflag:s0] =	ssyncset.done $0x0  }
0x23: {  	[sflag:s0] =	ssyncadd.s32 $0xFFFFFF80  }
0x24: {  	s13 =	sand.u32 $0x1, s21;
	_ =	strace $0x9000004B  }
0x25: {  	s0 =	sadd.s32 $0x3, s13;
	_ =	strace $0x8000004C  }
0x26: {  	_ =	swait.ge [sflag:s0], $0x80  }
0x27: {  	[sflag:s0] =	ssyncset.done $0x0  }
0x28: {  	s30 =	sand.u32 $0x1, s20;
	[sflag:s0] =	ssyncadd.s32 $0xFFFFFF80  }
0x29: {  	s29 =	sshll.u32 s30, $0xE;
	s31 =	sshll.u32 s23, $0x7;
	_ =	strace $0x9000004C  }
0x2a: {  	s3 =	sand.u32 $0x80, s31;
	s0 =	sor.u32 $0x200, s29;
	_ =	strace $0x8000004D  }
0x2b: {  	[tilespmem:s0], [sflag:$0x9] =	stream.indirect.gather [hbm4b:s2+s14], $0x80, s3, s14, $0x2000b8;
	[tilespmem:$0x10200] =	vst v63  }
0x2c: {  	s31 =	sand.u32 $0x1, s19;
	s13 =	sshll.u32 s21, $0x7;
	_ =	swait.ge [sflag:s15], $0x4000  }
0x2d: {  	s13 =	sand.u32 $0x80, s13;
	s29 =	sshll.u32 s31, $0xE;
	[sflag:s15] =	ssyncset.done $0x0  }
0x2e: {  	s13 =	sor.u32 $0x100, s13;
	s3 =	sor.u32 $0x8200, s29;
	[sflag:s15] =	ssyncadd.s32 $0xFFFFC000  }
0x2f: {  	[tilespmem:s3], [sflag:$0x9] =	stream.indirect.gather [hbm4b:s5+s14], $0x80, s13, s14, $0x2000b8;
	[tilespmem:$0x10200] =	vst v63  }
0x30: {  	p3 =	por p0, !p1;
	_ =	swait.ge [sflag:s15], $0x4000  }
0x31: {  	s13 =	sadd.s32 @p3 s9, s28;
	[sflag:s15] =	ssyncset.done $0x0  }
0x32: {  	s13 =	sshll.u32 @p3 s13, $0xB;
	[sflag:s15] =	ssyncadd.s32 $0xFFFFC000  }
0x33: {  	s29 =	simm.s32 $0x0;
	s13 =	sand.u32 @p3 $0x1FFFF800, s13;
	_ =	strace $0x9000004D  }
0x34: {  	s28 =	sadd.s32 @p3 $0x5, s30;
	s29 =	sadd.s32 @p3 s7, s13;
	_ =	strace @p3 $0x8000004E  }
0x35: {  	[hbm4b:s29+s1] =	stream.linear.scatter @p3 [tilespmem:s0], [sflag:s28], $0x4000, $0x200038;
	[tilespmem:$0x10200] =	vst v63  }
0x36: {  	p1 =	por !p1, p0;
	s20 =	sadd.s32 @p3 $0x1, s20;
	_ =	strace @p3 $0x9000004E  }
0x37: {  	s13 =	sadd.s32 @p3 s8, s13;
	s0 =	sadd.s32 @p3 $0x7, s31;
	_ =	strace @p3 $0x8000004F  }
0x38: {  	[hbm4b:s13+s1] =	stream.linear.scatter @p3 [tilespmem:s3], [sflag:s0], $0x4000, $0x200038;
	[tilespmem:$0x10200] =	vst v63  }
0x39: {  	s29 =	simm.s32 @p3 $0x1;
	_ =	strace @p3 $0x9000004F;
	p3 =	seq.s32 s18, $0x8  }
0x3a: {  	s30 =	smov.u32 s26;
	s28 =	smov.u32 s25;
	s0 =	sand.u32 @!p3 $0x1, s24  }
0x3b: {  	s19 =	sadd.s32 s19, s29;
	_ =	strace @!p3 $0x80000050;
	s0 =	sadd.s32 @!p3 $0x5, s0  }
0x3c: {  	s23 =	sadd.s32 s23, s29;
	s3 =	sadd.s32 @!p2 $0x1, s26;
	_ =	swait.ge @!p3 [sflag:s0], $0x4000  }
0x3d: {  	s30 =	smov.u32 @p1 s3;
	s18 =	sadd.s32 $0xFFFFFFFF, s18;
	[sflag:s0] =	ssyncset.done @!p3 $0x0  }
0x3e: {  	s13 =	sand.u32 @!p3 $0x1, s17;
	[sflag:s0] =	ssyncadd.s32 @!p3 $0xFFFFC000;
	s0 =	simm.s32 $0x0  }
0x3f: {  	s30 =	smov.u32 @p0 s26;
	s3 =	simm.s32 @!p3 $0x1;
	s0 =	simm.s32 @p1 $0x1  }
0x40: {  	_ =	strace @!p3 $0x90000050;
	s0 =	simm.s32 @p0 $0x0;
	p0 =	sne.s32 s18, $0x0  }
.Ltmp0:
0x41: {  	s13 =	sadd.s32 @!p3 $0x7, s13;
	_ =	strace @!p3 $0x80000051;
	(pc) =	sbr.rel @p0 .LBB2_2-.Ltmp0, $4  }
0x42: {  	s21 =	sadd.s32 s21, s29;
	s3 =	simm.s32 @p3 $0x0;
	_ =	swait.ge @!p3 [sflag:s13], $0x4000  }
0x43: {  	s22 =	sadd.s32 s22, s0;
	s0 =	sadd.s32 @!p3 $0x1, s24;
	[sflag:s13] =	ssyncset.done @!p3 $0x0  }
0x44: {  	s26 =	smov.u32 s30;
	s0 =	smov.u32 @p3 s24;
	[sflag:s13] =	ssyncadd.s32 @!p3 $0xFFFFC000  }
0x45: {  	s17 =	sadd.s32 s17, s3;
	s24 =	smov.u32 s0;
	_ =	strace @!p3 $0x90000051  }
0x46: {  	s0 =	sand.u32 $0x1, s0  }
0x47: {  	_ =	strace $0x80000052;
	s0 =	sadd.s32 $0x5, s0  }
0x48: {  	s16 =	sadd.s32 $0x1, s16;
	_ =	swait.ge [sflag:s0], $0x4000  }
0x49: {  	s3 =	sand.u32 $0x1, s17;
	p0 =	sne.s32 s16, s12;
	[sflag:s0] =	ssyncset.done $0x0  }
.Ltmp1:
0x4a: {  	s31 =	sadd.s32 $0x7, s3;
	[sflag:s0] =	ssyncadd.s32 $0xFFFFC000;
	(pc) =	sbr.rel @p0 .LBB2_1-.Ltmp1, $4  }
0x4b: {  	_ =	swait.ge [sflag:s31], $0x4000  }
0x4c: {  	[sflag:s31] =	ssyncset.done $0x0  }
0x4d: {  	[sflag:s31] =	ssyncadd.s32 $0xFFFFC000  }
0x4e: {  	_ =	strace $0x90000052  }
0x4f: {  	_ =	sfence.sel $0x180000  }
0x50: {  	[bflag:$0x0] =	sbarrier.arrive $0xFFFF  }
0x51: {  	_ =	strace $0x90000047  }
0x52: {  	s0 =	stileid.u32;
	[bflag:$0x2] =	sbarrier.arrive $0xFFFF  }
0x53: {  	p0 =	sne.s32 s0, $0x0;
	s0 =	rddreg [dreg:$0x1]  }
0x54: {  	s0 =	sadd.s32 @!p0 $0x100000, s0  }
0x55: {  	[sflag:s0] =	ssyncadd.tile.s32 @!p0 $0x1;
	_ =	shalt  }
.Lfunc_end2:
_tile_overlayer_lowered:
.L_overlay_start_2:
0x56: {  	(tag) =	ssettag $0x2  }
0x57: {  	s0 =	rddreg [dreg:$0x0];
	s2 =	stileid.u32  }
0x58: {  	s1 =	rddreg [dreg:$0x1];
	p0 =	sne.s32 s2, $0x0  }
0x59: {  	s3 =	rddreg [dreg:$0x2];
	[bflag:$0x3] =	sbarrier.arrive $0xFFFF;
	s2 =	simm.s32 @!p0 $0x1C01  }
0x5a: {  	[timem:s3], [sflag:s2] =	dma.local @!p0 [hbm:s0], s1  }
0x5b: {  	s0 =	simm.s32 @!p0 $0x1  }
0x5c: {  	_ =	swait.ge @!p0 [sflag:s0], s1  }
0x5d: {  	s1 =	ssub.s32 @!p0 $0x0, s1;
	[sflag:s0] =	ssyncset.done @!p0 $0x0  }
0x5e: {  	[sflag:s0] =	ssyncadd.s32 @!p0 s1  }
0x5f: {  	[bflag:$0x3] =	sbarrier.arrive $0xFFFF  }
0x60: {  	_ =	shalt  }

</sc_bundles>
